<compile_context>
chip_gen: v7x
topology: tpu7x:2x2x1
jax: 0.10.2.dev20260603
libtpu: 0.0.44.dev20260713+nightly
codegen_flags: <defaults>
</compile_context>

<pallas_src>
import functools

import jax
import jax.numpy as jnp
from jax import lax
from jax.experimental import pallas as pl
from jax.experimental.pallas import tpu as pltpu
from jax.experimental.pallas import tpu_sc as plsc

N = 320000
D = 128
S = 10000
NC = 2
NS = 16
NW = NC * NS
ROWS_PER_W = N // NW
CHUNK = 80
NCHUNK = ROWS_PER_W // CHUNK
SEG_PER_SUB = 640

GATE_BN = 6400


def _gate_body(x_ref, w_ref, b_ref, out_ref):
    x = x_ref[...]
    z = jax.lax.dot_general(
        x, w_ref[...], (((1,), (0,)), ((), ())),
        preferred_element_type=jnp.float32,
        precision=lax.Precision.HIGHEST,
    )
    zp = z.reshape(GATE_BN // D, D)
    zp = zp + b_ref[...]
    g = 1.0 / (1.0 + jnp.exp(-zp))
    out_ref[...] = x * g.reshape(GATE_BN, 1)


def _gated_vals(x, W, b):
    grid = N // GATE_BN
    return pl.pallas_call(
        _gate_body,
        grid=(grid,),
        in_specs=[
            pl.BlockSpec((GATE_BN, D), lambda i: (i, 0)),
            pl.BlockSpec((D, 1), lambda i: (0, 0)),
            pl.BlockSpec((1, 1), lambda i: (0, 0)),
        ],
        out_specs=pl.BlockSpec((GATE_BN, D), lambda i: (i, 0)),
        out_shape=jax.ShapeDtypeStruct((N, D), jnp.float32),
    )(x, W, b.reshape(1, 1))


def _sc_mesh():
    return plsc.VectorSubcoreMesh(core_axis_name="c", subcore_axis_name="s")


@functools.partial(
    pl.kernel,
    mesh=_sc_mesh(),
    out_type=jax.ShapeDtypeStruct((NC, S, D), jnp.float32),
    scratch_types=[
        pltpu.VMEM_SHARED((S, D), jnp.float32),
        pltpu.VMEM((CHUNK, D), jnp.float32),
        pltpu.VMEM((CHUNK, D), jnp.float32),
        pltpu.VMEM((CHUNK,), jnp.int32),
        pltpu.VMEM((CHUNK,), jnp.int32),
        pltpu.SemaphoreType.DMA,
        pltpu.SemaphoreType.DMA,
        pltpu.SemaphoreType.DMA,
        pltpu.SemaphoreType.DMA,
    ],
)
def _sc_scatter(vals_hbm, batch_hbm, out_hbm, acc, vb0, vb1, ib0, ib1,
                sv0, sv1, si0, si1):
    c = lax.axis_index("c")
    s = lax.axis_index("s")
    base = c * (N // NC) + s * ROWS_PER_W
    vbufs, ibufs, svs, sis = (vb0, vb1), (ib0, ib1), (sv0, sv1), (si0, si1)

    def _zrow(r, carry):
        for j in range(D // 16):
            vb0[r, pl.ds(j * 16, 16)] = jnp.zeros((16,), jnp.float32)
        return carry

    lax.fori_loop(0, CHUNK, _zrow, 0)
    seg_base = jnp.minimum(s * SEG_PER_SUB, S - SEG_PER_SUB)
    for k in range(SEG_PER_SUB // CHUNK):
        pltpu.sync_copy(vb0, acc.at[pl.ds(seg_base + k * CHUNK, CHUNK)])
    plsc.subcore_barrier()

    def _start(k, p):
        row = base + k * CHUNK
        pltpu.async_copy(vals_hbm.at[pl.ds(row, CHUNK)], vbufs[p], svs[p])
        pltpu.async_copy(batch_hbm.at[pl.ds(row, CHUNK)], ibufs[p], sis[p])

    def _finish(k, p):
        row = base + k * CHUNK
        pltpu.make_async_copy(vals_hbm.at[pl.ds(row, CHUNK)], vbufs[p], svs[p]).wait()
        pltpu.make_async_copy(batch_hbm.at[pl.ds(row, CHUNK)], ibufs[p], sis[p]).wait()
        pltpu.sync_copy(vbufs[p], acc.at[ibufs[p]], add=True)

    _start(0, 0)

    def _pair(j, carry):
        k = 2 * j
        _start(k + 1, 1)
        _finish(k, 0)
        _start(k + 2, 0)
        _finish(k + 1, 1)
        return carry

    lax.fori_loop(0, (NCHUNK - 1) // 2, _pair, 0)
    _finish(NCHUNK - 1, 0)
    plsc.subcore_barrier()

    pltpu.sync_copy(acc.at[pl.ds(seg_base, SEG_PER_SUB)],
                    out_hbm.at[c, pl.ds(seg_base, SEG_PER_SUB)])


ASM_BN = 5000


def _assemble_body(p_ref, o_ref):
    i = pl.program_id(0)

    @pl.when(i < S // ASM_BN)
    def _():
        o_ref[...] = p_ref[0] + p_ref[1]

    @pl.when(i >= S // ASM_BN)
    def _():
        o_ref[...] = jnp.zeros_like(o_ref)


def _assemble(partials):
    nseg = S // ASM_BN
    return pl.pallas_call(
        _assemble_body,
        grid=(N // ASM_BN,),
        in_specs=[pl.BlockSpec((2, ASM_BN, D),
                               lambda i: (0, jnp.minimum(i, nseg - 1), 0))],
        out_specs=pl.BlockSpec((ASM_BN, D), lambda i: (i, 0)),
        out_shape=jax.ShapeDtypeStruct((N, D), jnp.float32),
    )(partials)


def kernel(x, batch, W, b):
    vals = _gated_vals(x, W, b)
    partials = _sc_scatter(vals, batch.astype(jnp.int32))
    return _assemble(partials)

# --- scband reference (transcript-rebuilt; emitter-appended) ---
"""Pipeline reference for scband-global-attention-pool-53901839564896 (READ-ONLY COPY).

The authoritative reference and input builder live on the scoring server;
editing this copy changes nothing except your own understanding.
"""

import jax, jax.numpy as jnp
import numpy as np

N = 320000
D = 128
NUM_SEGMENTS = 10000

def setup_inputs(seed: int = 0) -> dict:
    key = jax.random.key(seed)
    k1, k2, k3 = jax.random.split(key, 3)
    x = jax.random.normal(k1, (N, D), dtype=jnp.float32)
    batch = jnp.sort(jax.random.randint(k2, (N,), 0, NUM_SEGMENTS))
    # gate_nn = nn.Linear(128, 1): weight [1, 128] -> stored transposed [128, 1], bias [1]
    W = jax.random.normal(k3, (D, 1), dtype=jnp.float32) * (1.0 / np.sqrt(D))
    b = jnp.zeros((1,), dtype=jnp.float32)
    return {"x": x, "batch": batch, "W": W, "b": b}

def reference(x, batch, W, b):
    # gate = sigmoid(gate_nn(x)) -> [N, 1], broadcasts against x [N, D]
    gate = jax.nn.sigmoid(x @ W + b)
    vals = x * gate
    # torch.zeros_like(x).scatter_add_(0, batch.unsqueeze(-1).expand_as(x), vals)
    # == scatter-add rows of vals into rows indexed by batch, output shape [N, D]
    out = jnp.zeros_like(x).at[batch].add(vals)
    return out

if __name__ == "__main__":
    import jax
    _d = setup_inputs()
    print(jax.jit(kernel)(*tuple(_d.values())))

</pallas_src>

<mosaic_0001>
#map = affine_map<(d0, d1) -> (0, 0)>
#map1 = affine_map<(d0, d1) -> (0)>
#map2 = affine_map<(d0, d1) -> (0, 0, 0)>
module attributes {stable_mosaic.version = 14 : i64} {
  func.func @_sc_scatter(%arg0: i32, %arg1: i32, %arg2: memref<320000x128xf32, #tpu.memory_space<hbm>>, %arg3: memref<320000xi32, #tpu.memory_space<hbm>>, %arg4: memref<2x10000x128xf32, #tpu.memory_space<hbm>>, %arg5: memref<10000x128xf32, #tpu.memory_space<vmem_shared>>, %arg6: memref<80x128xf32, #tpu.memory_space<vmem>>, %arg7: memref<80x128xf32, #tpu.memory_space<vmem>>, %arg8: memref<80xi32, #tpu.memory_space<vmem>>, %arg9: memref<80xi32, #tpu.memory_space<vmem>>, %arg10: memref<!tpu.dma_semaphore, #tpu.memory_space<semaphore_mem>>, %arg11: memref<!tpu.dma_semaphore, #tpu.memory_space<semaphore_mem>>, %arg12: memref<!tpu.dma_semaphore, #tpu.memory_space<semaphore_mem>>, %arg13: memref<!tpu.dma_semaphore, #tpu.memory_space<semaphore_mem>>) attributes {dimension_semantics = [#tpu.dimension_semantics<core_parallel>, #tpu.dimension_semantics<subcore_parallel>], iteration_bounds = array<i64: 2, 16>, scalar_prefetch = 0 : i64, scratch_operands = 9 : i64, tpu.core_type = #tpu.core_type<sc_vector_subcore>, window_params = [{transform_indices = #map}, {transform_indices = #map1}, {transform_indices = #map2}]} {
    %mul3A = arith.constant 160000 : i32
    %mul3A_0 = arith.muli %arg0, %mul3A : i32
    %mul3A_1 = arith.constant 10000 : i32
    %mul3A_2 = arith.muli %arg1, %mul3A_1 : i32
    %add3A = arith.addi %mul3A_0, %mul3A_2 : i32
    %scan3A = arith.constant 0 : i32
    %scan3A_3 = arith.constant 0 : i32
    %scan3A_4 = arith.constant 80 : i32
    %scan3A_5 = arith.addi %scan3A_3, %scan3A_4 : i32
    %scan3A_6 = arith.constant 1 : i32
    scf.for %scan3A_48 = %scan3A_3 to %scan3A_5 step %scan3A_6  : i32 {
      %broadcast_in_dim3A = arith.constant 0.000000e+00 : f32
      %broadcast_in_dim3A_49 = vector.broadcast %broadcast_in_dim3A : f32 to vector<16xf32>
      %swap3A = arith.index_cast %scan3A_48 : i32 to index
      %swap3A_50 = arith.constant 0 : index
      %swap3A_51 = tpu.vector_load %arg6[%swap3A, %swap3A_50] {strides = array<i32>} : memref<80x128xf32, #tpu.memory_space<vmem>>, vector<1x16xf32>,
      %swap3A_52 = vector.shape_cast %swap3A_51 : vector<1x16xf32> to vector<16xf32>
      %swap3A_53 = vector.shape_cast %broadcast_in_dim3A_49 : vector<16xf32> to vector<1x16xf32>
      tpu.vector_store %arg6[%swap3A, %swap3A_50], %swap3A_53 {strides = array<i32>} : memref<80x128xf32, #tpu.memory_space<vmem>>, vector<1x16xf32>,
      %broadcast_in_dim3A_54 = arith.constant 0.000000e+00 : f32
      %broadcast_in_dim3A_55 = vector.broadcast %broadcast_in_dim3A_54 : f32 to vector<16xf32>
      %swap3A_56 = arith.index_cast %scan3A_48 : i32 to index
      %swap3A_57 = arith.constant 16 : index
      %swap3A_58 = tpu.vector_load %arg6[%swap3A_56, %swap3A_57] {strides = array<i32>} : memref<80x128xf32, #tpu.memory_space<vmem>>, vector<1x16xf32>,
      %swap3A_59 = vector.shape_cast %swap3A_58 : vector<1x16xf32> to vector<16xf32>
      %swap3A_60 = vector.shape_cast %broadcast_in_dim3A_55 : vector<16xf32> to vector<1x16xf32>
      tpu.vector_store %arg6[%swap3A_56, %swap3A_57], %swap3A_60 {strides = array<i32>} : memref<80x128xf32, #tpu.memory_space<vmem>>, vector<1x16xf32>,
      %broadcast_in_dim3A_61 = arith.constant 0.000000e+00 : f32
      %broadcast_in_dim3A_62 = vector.broadcast %broadcast_in_dim3A_61 : f32 to vector<16xf32>
      %swap3A_63 = arith.index_cast %scan3A_48 : i32 to index
      %swap3A_64 = arith.constant 32 : index
      %swap3A_65 = tpu.vector_load %arg6[%swap3A_63, %swap3A_64] {strides = array<i32>} : memref<80x128xf32, #tpu.memory_space<vmem>>, vector<1x16xf32>,
      %swap3A_66 = vector.shape_cast %swap3A_65 : vector<1x16xf32> to vector<16xf32>
      %swap3A_67 = vector.shape_cast %broadcast_in_dim3A_62 : vector<16xf32> to vector<1x16xf32>
      tpu.vector_store %arg6[%swap3A_63, %swap3A_64], %swap3A_67 {strides = array<i32>} : memref<80x128xf32, #tpu.memory_space<vmem>>, vector<1x16xf32>,
      %broadcast_in_dim3A_68 = arith.constant 0.000000e+00 : f32
      %broadcast_in_dim3A_69 = vector.broadcast %broadcast_in_dim3A_68 : f32 to vector<16xf32>
      %swap3A_70 = arith.index_cast %scan3A_48 : i32 to index
      %swap3A_71 = arith.constant 48 : index
      %swap3A_72 = tpu.vector_load %arg6[%swap3A_70, %swap3A_71] {strides = array<i32>} : memref<80x128xf32, #tpu.memory_space<vmem>>, vector<1x16xf32>,
      %swap3A_73 = vector.shape_cast %swap3A_72 : vector<1x16xf32> to vector<16xf32>
      %swap3A_74 = vector.shape_cast %broadcast_in_dim3A_69 : vector<16xf32> to vector<1x16xf32>
      tpu.vector_store %arg6[%swap3A_70, %swap3A_71], %swap3A_74 {strides = array<i32>} : memref<80x128xf32, #tpu.memory_space<vmem>>, vector<1x16xf32>,
      %broadcast_in_dim3A_75 = arith.constant 0.000000e+00 : f32
      %broadcast_in_dim3A_76 = vector.broadcast %broadcast_in_dim3A_75 : f32 to vector<16xf32>
      %swap3A_77 = arith.index_cast %scan3A_48 : i32 to index
      %swap3A_78 = arith.constant 64 : index
      %swap3A_79 = tpu.vector_load %arg6[%swap3A_77, %swap3A_78] {strides = array<i32>} : memref<80x128xf32, #tpu.memory_space<vmem>>, vector<1x16xf32>,
      %swap3A_80 = vector.shape_cast %swap3A_79 : vector<1x16xf32> to vector<16xf32>
      %swap3A_81 = vector.shape_cast %broadcast_in_dim3A_76 : vector<16xf32> to vector<1x16xf32>
      tpu.vector_store %arg6[%swap3A_77, %swap3A_78], %swap3A_81 {strides = array<i32>} : memref<80x128xf32, #tpu.memory_space<vmem>>, vector<1x16xf32>,
      %broadcast_in_dim3A_82 = arith.constant 0.000000e+00 : f32
      %broadcast_in_dim3A_83 = vector.broadcast %broadcast_in_dim3A_82 : f32 to vector<16xf32>
      %swap3A_84 = arith.index_cast %scan3A_48 : i32 to index
      %swap3A_85 = arith.constant 80 : index
      %swap3A_86 = tpu.vector_load %arg6[%swap3A_84, %swap3A_85] {strides = array<i32>} : memref<80x128xf32, #tpu.memory_space<vmem>>, vector<1x16xf32>,
      %swap3A_87 = vector.shape_cast %swap3A_86 : vector<1x16xf32> to vector<16xf32>
      %swap3A_88 = vector.shape_cast %broadcast_in_dim3A_83 : vector<16xf32> to vector<1x16xf32>
      tpu.vector_store %arg6[%swap3A_84, %swap3A_85], %swap3A_88 {strides = array<i32>} : memref<80x128xf32, #tpu.memory_space<vmem>>, vector<1x16xf32>,
      %broadcast_in_dim3A_89 = arith.constant 0.000000e+00 : f32
      %broadcast_in_dim3A_90 = vector.broadcast %broadcast_in_dim3A_89 : f32 to vector<16xf32>
      %swap3A_91 = arith.index_cast %scan3A_48 : i32 to index
      %swap3A_92 = arith.constant 96 : index
      %swap3A_93 = tpu.vector_load %arg6[%swap3A_91, %swap3A_92] {strides = array<i32>} : memref<80x128xf32, #tpu.memory_space<vmem>>, vector<1x16xf32>,
      %swap3A_94 = vector.shape_cast %swap3A_93 : vector<1x16xf32> to vector<16xf32>
      %swap3A_95 = vector.shape_cast %broadcast_in_dim3A_90 : vector<16xf32> to vector<1x16xf32>
      tpu.vector_store %arg6[%swap3A_91, %swap3A_92], %swap3A_95 {strides = array<i32>} : memref<80x128xf32, #tpu.memory_space<vmem>>, vector<1x16xf32>,
      %broadcast_in_dim3A_96 = arith.constant 0.000000e+00 : f32
      %broadcast_in_dim3A_97 = vector.broadcast %broadcast_in_dim3A_96 : f32 to vector<16xf32>
      %swap3A_98 = arith.index_cast %scan3A_48 : i32 to index
      %swap3A_99 = arith.constant 112 : index
      %swap3A_100 = tpu.vector_load %arg6[%swap3A_98, %swap3A_99] {strides = array<i32>} : memref<80x128xf32, #tpu.memory_space<vmem>>, vector<1x16xf32>,
      %swap3A_101 = vector.shape_cast %swap3A_100 : vector<1x16xf32> to vector<16xf32>
      %swap3A_102 = vector.shape_cast %broadcast_in_dim3A_97 : vector<16xf32> to vector<1x16xf32>
      tpu.vector_store %arg6[%swap3A_98, %swap3A_99], %swap3A_102 {strides = array<i32>} : memref<80x128xf32, #tpu.memory_space<vmem>>, vector<1x16xf32>,
    }
    %scan3A_7 = arith.constant 80 : i32
    %mul3A_8 = arith.constant 640 : i32
    %mul3A_9 = arith.muli %arg1, %mul3A_8 : i32
    %min3A = arith.constant 9360 : i32
    %min3A_10 = arith.minsi %mul3A_9, %min3A : i32
    %add3A_11 = arith.constant 0 : i32
    %add3A_12 = arith.addi %min3A_10, %add3A_11 : i32
    "tpu.region"() ({
      %run_scoped3A = tpu.sem_alloc : memref<!tpu.dma_semaphore, #tpu.memory_space<semaphore_mem>>
      %dma_start3A_48 = arith.constant 0 : i32
      %dma_start3A_49 = tpu.memref_slice %arg5[%add3A_12, %dma_start3A_48] : memref<10000x128xf32, #tpu.memory_space<vmem_shared>> -> memref<80x128xf32, #tpu.memory_space<vmem_shared>>
      %dma_start3A_50 = arith.constant 0 : i32
      %dma_start3A_51 = tpu.memref_slice %arg5[%add3A_12, %dma_start3A_50] : memref<10000x128xf32, #tpu.memory_space<vmem_shared>> -> memref<80x128xf32, #tpu.memory_space<vmem_shared>>
      tpu.enqueue_dma source(%arg6 : memref<80x128xf32, #tpu.memory_space<vmem>>) target(%dma_start3A_51 : memref<80x128xf32, #tpu.memory_space<vmem_shared>>) target_semaphore(%run_scoped3A : memref<!tpu.dma_semaphore, #tpu.memory_space<semaphore_mem>>)
      %dma_wait3A_52 = arith.constant 0 : i32
      %dma_wait3A_53 = tpu.memref_slice %arg5[%add3A_12, %dma_wait3A_52] : memref<10000x128xf32, #tpu.memory_space<vmem_shared>> -> memref<80x128xf32, #tpu.memory_space<vmem_shared>>
      %dma_wait3A_54 = arith.constant 0 : i32
      %dma_wait3A_55 = tpu.memref_slice %arg5[%add3A_12, %dma_wait3A_54] : memref<10000x128xf32, #tpu.memory_space<vmem_shared>> -> memref<80x128xf32, #tpu.memory_space<vmem_shared>>
      tpu.wait_dma2 semaphore(%run_scoped3A : memref<!tpu.dma_semaphore, #tpu.memory_space<semaphore_mem>>) src(%arg6 : memref<80x128xf32, #tpu.memory_space<vmem>>) dst(%dma_wait3A_55 : memref<80x128xf32, #tpu.memory_space<vmem_shared>>)
      tpu.yield
    }) : () -> ()
    %add3A_13 = arith.constant 80 : i32
    %add3A_14 = arith.addi %min3A_10, %add3A_13 : i32
    "tpu.region"() ({
      %run_scoped3A = tpu.sem_alloc : memref<!tpu.dma_semaphore, #tpu.memory_space<semaphore_mem>>
      %dma_start3A_48 = arith.constant 0 : i32
      %dma_start3A_49 = tpu.memref_slice %arg5[%add3A_14, %dma_start3A_48] : memref<10000x128xf32, #tpu.memory_space<vmem_shared>> -> memref<80x128xf32, #tpu.memory_space<vmem_shared>>
      %dma_start3A_50 = arith.constant 0 : i32
      %dma_start3A_51 = tpu.memref_slice %arg5[%add3A_14, %dma_start3A_50] : memref<10000x128xf32, #tpu.memory_space<vmem_shared>> -> memref<80x128xf32, #tpu.memory_space<vmem_shared>>
      tpu.enqueue_dma source(%arg6 : memref<80x128xf32, #tpu.memory_space<vmem>>) target(%dma_start3A_51 : memref<80x128xf32, #tpu.memory_space<vmem_shared>>) target_semaphore(%run_scoped3A : memref<!tpu.dma_semaphore, #tpu.memory_space<semaphore_mem>>)
      %dma_wait3A_52 = arith.constant 0 : i32
      %dma_wait3A_53 = tpu.memref_slice %arg5[%add3A_14, %dma_wait3A_52] : memref<10000x128xf32, #tpu.memory_space<vmem_shared>> -> memref<80x128xf32, #tpu.memory_space<vmem_shared>>
      %dma_wait3A_54 = arith.constant 0 : i32
      %dma_wait3A_55 = tpu.memref_slice %arg5[%add3A_14, %dma_wait3A_54] : memref<10000x128xf32, #tpu.memory_space<vmem_shared>> -> memref<80x128xf32, #tpu.memory_space<vmem_shared>>
      tpu.wait_dma2 semaphore(%run_scoped3A : memref<!tpu.dma_semaphore, #tpu.memory_space<semaphore_mem>>) src(%arg6 : memref<80x128xf32, #tpu.memory_space<vmem>>) dst(%dma_wait3A_55 : memref<80x128xf32, #tpu.memory_space<vmem_shared>>)
      tpu.yield
    }) : () -> ()
    %add3A_15 = arith.constant 160 : i32
    %add3A_16 = arith.addi %min3A_10, %add3A_15 : i32
    "tpu.region"() ({
      %run_scoped3A = tpu.sem_alloc : memref<!tpu.dma_semaphore, #tpu.memory_space<semaphore_mem>>
      %dma_start3A_48 = arith.constant 0 : i32
      %dma_start3A_49 = tpu.memref_slice %arg5[%add3A_16, %dma_start3A_48] : memref<10000x128xf32, #tpu.memory_space<vmem_shared>> -> memref<80x128xf32, #tpu.memory_space<vmem_shared>>
      %dma_start3A_50 = arith.constant 0 : i32
      %dma_start3A_51 = tpu.memref_slice %arg5[%add3A_16, %dma_start3A_50] : memref<10000x128xf32, #tpu.memory_space<vmem_shared>> -> memref<80x128xf32, #tpu.memory_space<vmem_shared>>
      tpu.enqueue_dma source(%arg6 : memref<80x128xf32, #tpu.memory_space<vmem>>) target(%dma_start3A_51 : memref<80x128xf32, #tpu.memory_space<vmem_shared>>) target_semaphore(%run_scoped3A : memref<!tpu.dma_semaphore, #tpu.memory_space<semaphore_mem>>)
      %dma_wait3A_52 = arith.constant 0 : i32
      %dma_wait3A_53 = tpu.memref_slice %arg5[%add3A_16, %dma_wait3A_52] : memref<10000x128xf32, #tpu.memory_space<vmem_shared>> -> memref<80x128xf32, #tpu.memory_space<vmem_shared>>
      %dma_wait3A_54 = arith.constant 0 : i32
      %dma_wait3A_55 = tpu.memref_slice %arg5[%add3A_16, %dma_wait3A_54] : memref<10000x128xf32, #tpu.memory_space<vmem_shared>> -> memref<80x128xf32, #tpu.memory_space<vmem_shared>>
      tpu.wait_dma2 semaphore(%run_scoped3A : memref<!tpu.dma_semaphore, #tpu.memory_space<semaphore_mem>>) src(%arg6 : memref<80x128xf32, #tpu.memory_space<vmem>>) dst(%dma_wait3A_55 : memref<80x128xf32, #tpu.memory_space<vmem_shared>>)
      tpu.yield
    }) : () -> ()
    %add3A_17 = arith.constant 240 : i32
    %add3A_18 = arith.addi %min3A_10, %add3A_17 : i32
    "tpu.region"() ({
      %run_scoped3A = tpu.sem_alloc : memref<!tpu.dma_semaphore, #tpu.memory_space<semaphore_mem>>
      %dma_start3A_48 = arith.constant 0 : i32
      %dma_start3A_49 = tpu.memref_slice %arg5[%add3A_18, %dma_start3A_48] : memref<10000x128xf32, #tpu.memory_space<vmem_shared>> -> memref<80x128xf32, #tpu.memory_space<vmem_shared>>
      %dma_start3A_50 = arith.constant 0 : i32
      %dma_start3A_51 = tpu.memref_slice %arg5[%add3A_18, %dma_start3A_50] : memref<10000x128xf32, #tpu.memory_space<vmem_shared>> -> memref<80x128xf32, #tpu.memory_space<vmem_shared>>
      tpu.enqueue_dma source(%arg6 : memref<80x128xf32, #tpu.memory_space<vmem>>) target(%dma_start3A_51 : memref<80x128xf32, #tpu.memory_space<vmem_shared>>) target_semaphore(%run_scoped3A : memref<!tpu.dma_semaphore, #tpu.memory_space<semaphore_mem>>)
      %dma_wait3A_52 = arith.constant 0 : i32
      %dma_wait3A_53 = tpu.memref_slice %arg5[%add3A_18, %dma_wait3A_52] : memref<10000x128xf32, #tpu.memory_space<vmem_shared>> -> memref<80x128xf32, #tpu.memory_space<vmem_shared>>
      %dma_wait3A_54 = arith.constant 0 : i32
      %dma_wait3A_55 = tpu.memref_slice %arg5[%add3A_18, %dma_wait3A_54] : memref<10000x128xf32, #tpu.memory_space<vmem_shared>> -> memref<80x128xf32, #tpu.memory_space<vmem_shared>>
      tpu.wait_dma2 semaphore(%run_scoped3A : memref<!tpu.dma_semaphore, #tpu.memory_space<semaphore_mem>>) src(%arg6 : memref<80x128xf32, #tpu.memory_space<vmem>>) dst(%dma_wait3A_55 : memref<80x128xf32, #tpu.memory_space<vmem_shared>>)
      tpu.yield
    }) : () -> ()
    %add3A_19 = arith.constant 320 : i32
    %add3A_20 = arith.addi %min3A_10, %add3A_19 : i32
    "tpu.region"() ({
      %run_scoped3A = tpu.sem_alloc : memref<!tpu.dma_semaphore, #tpu.memory_space<semaphore_mem>>
      %dma_start3A_48 = arith.constant 0 : i32
      %dma_start3A_49 = tpu.memref_slice %arg5[%add3A_20, %dma_start3A_48] : memref<10000x128xf32, #tpu.memory_space<vmem_shared>> -> memref<80x128xf32, #tpu.memory_space<vmem_shared>>
      %dma_start3A_50 = arith.constant 0 : i32
      %dma_start3A_51 = tpu.memref_slice %arg5[%add3A_20, %dma_start3A_50] : memref<10000x128xf32, #tpu.memory_space<vmem_shared>> -> memref<80x128xf32, #tpu.memory_space<vmem_shared>>
      tpu.enqueue_dma source(%arg6 : memref<80x128xf32, #tpu.memory_space<vmem>>) target(%dma_start3A_51 : memref<80x128xf32, #tpu.memory_space<vmem_shared>>) target_semaphore(%run_scoped3A : memref<!tpu.dma_semaphore, #tpu.memory_space<semaphore_mem>>)
      %dma_wait3A_52 = arith.constant 0 : i32
      %dma_wait3A_53 = tpu.memref_slice %arg5[%add3A_20, %dma_wait3A_52] : memref<10000x128xf32, #tpu.memory_space<vmem_shared>> -> memref<80x128xf32, #tpu.memory_space<vmem_shared>>
      %dma_wait3A_54 = arith.constant 0 : i32
      %dma_wait3A_55 = tpu.memref_slice %arg5[%add3A_20, %dma_wait3A_54] : memref<10000x128xf32, #tpu.memory_space<vmem_shared>> -> memref<80x128xf32, #tpu.memory_space<vmem_shared>>
      tpu.wait_dma2 semaphore(%run_scoped3A : memref<!tpu.dma_semaphore, #tpu.memory_space<semaphore_mem>>) src(%arg6 : memref<80x128xf32, #tpu.memory_space<vmem>>) dst(%dma_wait3A_55 : memref<80x128xf32, #tpu.memory_space<vmem_shared>>)
      tpu.yield
    }) : () -> ()
    %add3A_21 = arith.constant 400 : i32
    %add3A_22 = arith.addi %min3A_10, %add3A_21 : i32
    "tpu.region"() ({
      %run_scoped3A = tpu.sem_alloc : memref<!tpu.dma_semaphore, #tpu.memory_space<semaphore_mem>>
      %dma_start3A_48 = arith.constant 0 : i32
      %dma_start3A_49 = tpu.memref_slice %arg5[%add3A_22, %dma_start3A_48] : memref<10000x128xf32, #tpu.memory_space<vmem_shared>> -> memref<80x128xf32, #tpu.memory_space<vmem_shared>>
      %dma_start3A_50 = arith.constant 0 : i32
      %dma_start3A_51 = tpu.memref_slice %arg5[%add3A_22, %dma_start3A_50] : memref<10000x128xf32, #tpu.memory_space<vmem_shared>> -> memref<80x128xf32, #tpu.memory_space<vmem_shared>>
      tpu.enqueue_dma source(%arg6 : memref<80x128xf32, #tpu.memory_space<vmem>>) target(%dma_start3A_51 : memref<80x128xf32, #tpu.memory_space<vmem_shared>>) target_semaphore(%run_scoped3A : memref<!tpu.dma_semaphore, #tpu.memory_space<semaphore_mem>>)
      %dma_wait3A_52 = arith.constant 0 : i32
      %dma_wait3A_53 = tpu.memref_slice %arg5[%add3A_22, %dma_wait3A_52] : memref<10000x128xf32, #tpu.memory_space<vmem_shared>> -> memref<80x128xf32, #tpu.memory_space<vmem_shared>>
      %dma_wait3A_54 = arith.constant 0 : i32
      %dma_wait3A_55 = tpu.memref_slice %arg5[%add3A_22, %dma_wait3A_54] : memref<10000x128xf32, #tpu.memory_space<vmem_shared>> -> memref<80x128xf32, #tpu.memory_space<vmem_shared>>
      tpu.wait_dma2 semaphore(%run_scoped3A : memref<!tpu.dma_semaphore, #tpu.memory_space<semaphore_mem>>) src(%arg6 : memref<80x128xf32, #tpu.memory_space<vmem>>) dst(%dma_wait3A_55 : memref<80x128xf32, #tpu.memory_space<vmem_shared>>)
      tpu.yield
    }) : () -> ()
    %add3A_23 = arith.constant 480 : i32
    %add3A_24 = arith.addi %min3A_10, %add3A_23 : i32
    "tpu.region"() ({
      %run_scoped3A = tpu.sem_alloc : memref<!tpu.dma_semaphore, #tpu.memory_space<semaphore_mem>>
      %dma_start3A_48 = arith.constant 0 : i32
      %dma_start3A_49 = tpu.memref_slice %arg5[%add3A_24, %dma_start3A_48] : memref<10000x128xf32, #tpu.memory_space<vmem_shared>> -> memref<80x128xf32, #tpu.memory_space<vmem_shared>>
      %dma_start3A_50 = arith.constant 0 : i32
      %dma_start3A_51 = tpu.memref_slice %arg5[%add3A_24, %dma_start3A_50] : memref<10000x128xf32, #tpu.memory_space<vmem_shared>> -> memref<80x128xf32, #tpu.memory_space<vmem_shared>>
      tpu.enqueue_dma source(%arg6 : memref<80x128xf32, #tpu.memory_space<vmem>>) target(%dma_start3A_51 : memref<80x128xf32, #tpu.memory_space<vmem_shared>>) target_semaphore(%run_scoped3A : memref<!tpu.dma_semaphore, #tpu.memory_space<semaphore_mem>>)
      %dma_wait3A_52 = arith.constant 0 : i32
      %dma_wait3A_53 = tpu.memref_slice %arg5[%add3A_24, %dma_wait3A_52] : memref<10000x128xf32, #tpu.memory_space<vmem_shared>> -> memref<80x128xf32, #tpu.memory_space<vmem_shared>>
      %dma_wait3A_54 = arith.constant 0 : i32
      %dma_wait3A_55 = tpu.memref_slice %arg5[%add3A_24, %dma_wait3A_54] : memref<10000x128xf32, #tpu.memory_space<vmem_shared>> -> memref<80x128xf32, #tpu.memory_space<vmem_shared>>
      tpu.wait_dma2 semaphore(%run_scoped3A : memref<!tpu.dma_semaphore, #tpu.memory_space<semaphore_mem>>) src(%arg6 : memref<80x128xf32, #tpu.memory_space<vmem>>) dst(%dma_wait3A_55 : memref<80x128xf32, #tpu.memory_space<vmem_shared>>)
      tpu.yield
    }) : () -> ()
    %add3A_25 = arith.constant 560 : i32
    %add3A_26 = arith.addi %min3A_10, %add3A_25 : i32
    "tpu.region"() ({
      %run_scoped3A = tpu.sem_alloc : memref<!tpu.dma_semaphore, #tpu.memory_space<semaphore_mem>>
      %dma_start3A_48 = arith.constant 0 : i32
      %dma_start3A_49 = tpu.memref_slice %arg5[%add3A_26, %dma_start3A_48] : memref<10000x128xf32, #tpu.memory_space<vmem_shared>> -> memref<80x128xf32, #tpu.memory_space<vmem_shared>>
      %dma_start3A_50 = arith.constant 0 : i32
      %dma_start3A_51 = tpu.memref_slice %arg5[%add3A_26, %dma_start3A_50] : memref<10000x128xf32, #tpu.memory_space<vmem_shared>> -> memref<80x128xf32, #tpu.memory_space<vmem_shared>>
      tpu.enqueue_dma source(%arg6 : memref<80x128xf32, #tpu.memory_space<vmem>>) target(%dma_start3A_51 : memref<80x128xf32, #tpu.memory_space<vmem_shared>>) target_semaphore(%run_scoped3A : memref<!tpu.dma_semaphore, #tpu.memory_space<semaphore_mem>>)
      %dma_wait3A_52 = arith.constant 0 : i32
      %dma_wait3A_53 = tpu.memref_slice %arg5[%add3A_26, %dma_wait3A_52] : memref<10000x128xf32, #tpu.memory_space<vmem_shared>> -> memref<80x128xf32, #tpu.memory_space<vmem_shared>>
      %dma_wait3A_54 = arith.constant 0 : i32
      %dma_wait3A_55 = tpu.memref_slice %arg5[%add3A_26, %dma_wait3A_54] : memref<10000x128xf32, #tpu.memory_space<vmem_shared>> -> memref<80x128xf32, #tpu.memory_space<vmem_shared>>
      tpu.wait_dma2 semaphore(%run_scoped3A : memref<!tpu.dma_semaphore, #tpu.memory_space<semaphore_mem>>) src(%arg6 : memref<80x128xf32, #tpu.memory_space<vmem>>) dst(%dma_wait3A_55 : memref<80x128xf32, #tpu.memory_space<vmem_shared>>)
      tpu.yield
    }) : () -> ()
    %barrier3A = arith.constant 0 : index
    tpu.barrier barrier_id(%barrier3A)
    %add3A_27 = arith.constant 0 : i32
    %add3A_28 = arith.addi %add3A, %add3A_27 : i32
    %dma_start3A = arith.constant 0 : i32
    %dma_start3A_29 = tpu.memref_slice %arg2[%add3A_28, %dma_start3A] : memref<320000x128xf32, #tpu.memory_space<hbm>> -> memref<80x128xf32, #tpu.memory_space<hbm>>
    %dma_start3A_30 = arith.constant 0 : i32
    %dma_start3A_31 = tpu.memref_slice %arg2[%add3A_28, %dma_start3A_30] : memref<320000x128xf32, #tpu.memory_space<hbm>> -> memref<80x128xf32, #tpu.memory_space<hbm>>
    tpu.enqueue_dma source(%dma_start3A_31 : memref<80x128xf32, #tpu.memory_space<hbm>>) target(%arg6 : memref<80x128xf32, #tpu.memory_space<vmem>>) target_semaphore(%arg10 : memref<!tpu.dma_semaphore, #tpu.memory_space<semaphore_mem>>)
    %dma_start3A_32 = tpu.memref_slice %arg3[%add3A_28] : memref<320000xi32, #tpu.memory_space<hbm>> -> memref<80xi32, #tpu.memory_space<hbm>>
    %dma_start3A_33 = tpu.memref_slice %arg3[%add3A_28] : memref<320000xi32, #tpu.memory_space<hbm>> -> memref<80xi32, #tpu.memory_space<hbm>>
    tpu.enqueue_dma source(%dma_start3A_33 : memref<80xi32, #tpu.memory_space<hbm>>) target(%arg8 : memref<80xi32, #tpu.memory_space<vmem>>) target_semaphore(%arg12 : memref<!tpu.dma_semaphore, #tpu.memory_space<semaphore_mem>>)
    %scan3A_34 = arith.constant 0 : i32
    %scan3A_35 = arith.constant 0 : i32
    %scan3A_36 = arith.constant 62 : i32
    %scan3A_37 = arith.addi %scan3A_35, %scan3A_36 : i32
    %scan3A_38 = arith.constant 1 : i32
    scf.for %scan3A_48 = %scan3A_35 to %scan3A_37 step %scan3A_38  : i32 {
      %mul3A_49 = arith.constant 2 : i32
      %mul3A_50 = arith.muli %mul3A_49, %scan3A_48 : i32
      %add3A_51 = arith.constant 1 : i32
      %add3A_52 = arith.addi %mul3A_50, %add3A_51 : i32
      %mul3A_53 = arith.constant 80 : i32
      %mul3A_54 = arith.muli %add3A_52, %mul3A_53 : i32
      %add3A_55 = arith.addi %add3A, %mul3A_54 : i32
      %dma_start3A_56 = arith.constant 0 : i32
      %dma_start3A_57 = tpu.memref_slice %arg2[%add3A_55, %dma_start3A_56] : memref<320000x128xf32, #tpu.memory_space<hbm>> -> memref<80x128xf32, #tpu.memory_space<hbm>>
      %dma_start3A_58 = arith.constant 0 : i32
      %dma_start3A_59 = tpu.memref_slice %arg2[%add3A_55, %dma_start3A_58] : memref<320000x128xf32, #tpu.memory_space<hbm>> -> memref<80x128xf32, #tpu.memory_space<hbm>>
      tpu.enqueue_dma source(%dma_start3A_59 : memref<80x128xf32, #tpu.memory_space<hbm>>) target(%arg7 : memref<80x128xf32, #tpu.memory_space<vmem>>) target_semaphore(%arg11 : memref<!tpu.dma_semaphore, #tpu.memory_space<semaphore_mem>>)
      %dma_start3A_60 = tpu.memref_slice %arg3[%add3A_55] : memref<320000xi32, #tpu.memory_space<hbm>> -> memref<80xi32, #tpu.memory_space<hbm>>
      %dma_start3A_61 = tpu.memref_slice %arg3[%add3A_55] : memref<320000xi32, #tpu.memory_space<hbm>> -> memref<80xi32, #tpu.memory_space<hbm>>
      tpu.enqueue_dma source(%dma_start3A_61 : memref<80xi32, #tpu.memory_space<hbm>>) target(%arg9 : memref<80xi32, #tpu.memory_space<vmem>>) target_semaphore(%arg13 : memref<!tpu.dma_semaphore, #tpu.memory_space<semaphore_mem>>)
      %mul3A_62 = arith.constant 80 : i32
      %mul3A_63 = arith.muli %mul3A_50, %mul3A_62 : i32
      %add3A_64 = arith.addi %add3A, %mul3A_63 : i32
      %dma_wait3A_65 = arith.constant 0 : i32
      %dma_wait3A_66 = tpu.memref_slice %arg2[%add3A_64, %dma_wait3A_65] : memref<320000x128xf32, #tpu.memory_space<hbm>> -> memref<80x128xf32, #tpu.memory_space<hbm>>
      %dma_wait3A_67 = arith.constant 0 : i32
      %dma_wait3A_68 = tpu.memref_slice %arg2[%add3A_64, %dma_wait3A_67] : memref<320000x128xf32, #tpu.memory_space<hbm>> -> memref<80x128xf32, #tpu.memory_space<hbm>>
      tpu.wait_dma2 semaphore(%arg10 : memref<!tpu.dma_semaphore, #tpu.memory_space<semaphore_mem>>) src(%dma_wait3A_68 : memref<80x128xf32, #tpu.memory_space<hbm>>) dst(%arg6 : memref<80x128xf32, #tpu.memory_space<vmem>>)
      %dma_wait3A_69 = tpu.memref_slice %arg3[%add3A_64] : memref<320000xi32, #tpu.memory_space<hbm>> -> memref<80xi32, #tpu.memory_space<hbm>>
      %dma_wait3A_70 = tpu.memref_slice %arg3[%add3A_64] : memref<320000xi32, #tpu.memory_space<hbm>> -> memref<80xi32, #tpu.memory_space<hbm>>
      tpu.wait_dma2 semaphore(%arg12 : memref<!tpu.dma_semaphore, #tpu.memory_space<semaphore_mem>>) src(%dma_wait3A_70 : memref<80xi32, #tpu.memory_space<hbm>>) dst(%arg8 : memref<80xi32, #tpu.memory_space<vmem>>)
      "tpu.region"() ({
        %run_scoped3A = tpu.sem_alloc : memref<!tpu.dma_semaphore, #tpu.memory_space<semaphore_mem>>
        %dma_start3A_93 = arith.constant 0 : i32
        %dma_start3A_94 = arith.constant 0 : i32
        %dma_start3A_95 = tpu.memref_slice %arg5[%dma_start3A_93, %dma_start3A_94] : memref<10000x128xf32, #tpu.memory_space<vmem_shared>> -> memref<10000x128xf32, #tpu.memory_space<vmem_shared>>
        tpu.enqueue_indirect_dma source(%arg6 : memref<80x128xf32, #tpu.memory_space<vmem>>) target(%dma_start3A_95 : memref<10000x128xf32, #tpu.memory_space<vmem_shared>>) offsets(%arg8 : memref<80xi32, #tpu.memory_space<vmem>>) semaphore(%run_scoped3A : memref<!tpu.dma_semaphore, #tpu.memory_space<semaphore_mem>>) {add = true}
        %dma_wait3A_96 = arith.constant 0 : i32
        %dma_wait3A_97 = arith.constant 0 : i32
        %dma_wait3A_98 = tpu.memref_slice %arg5[%dma_wait3A_96, %dma_wait3A_97] : memref<10000x128xf32, #tpu.memory_space<vmem_shared>> -> memref<10000x128xf32, #tpu.memory_space<vmem_shared>>
        tpu.wait_indirect_dma semaphore(%run_scoped3A : memref<!tpu.dma_semaphore, #tpu.memory_space<semaphore_mem>>) src(%arg6 : memref<80x128xf32, #tpu.memory_space<vmem>>) dst(%dma_wait3A_98 : memref<10000x128xf32, #tpu.memory_space<vmem_shared>>)
        tpu.yield
      }) : () -> ()
      %add3A_71 = arith.constant 2 : i32
      %add3A_72 = arith.addi %mul3A_50, %add3A_71 : i32
      %mul3A_73 = arith.constant 80 : i32
      %mul3A_74 = arith.muli %add3A_72, %mul3A_73 : i32
      %add3A_75 = arith.addi %add3A, %mul3A_74 : i32
      %dma_start3A_76 = arith.constant 0 : i32
      %dma_start3A_77 = tpu.memref_slice %arg2[%add3A_75, %dma_start3A_76] : memref<320000x128xf32, #tpu.memory_space<hbm>> -> memref<80x128xf32, #tpu.memory_space<hbm>>
      %dma_start3A_78 = arith.constant 0 : i32
      %dma_start3A_79 = tpu.memref_slice %arg2[%add3A_75, %dma_start3A_78] : memref<320000x128xf32, #tpu.memory_space<hbm>> -> memref<80x128xf32, #tpu.memory_space<hbm>>
      tpu.enqueue_dma source(%dma_start3A_79 : memref<80x128xf32, #tpu.memory_space<hbm>>) target(%arg6 : memref<80x128xf32, #tpu.memory_space<vmem>>) target_semaphore(%arg10 : memref<!tpu.dma_semaphore, #tpu.memory_space<semaphore_mem>>)
      %dma_start3A_80 = tpu.memref_slice %arg3[%add3A_75] : memref<320000xi32, #tpu.memory_space<hbm>> -> memref<80xi32, #tpu.memory_space<hbm>>
      %dma_start3A_81 = tpu.memref_slice %arg3[%add3A_75] : memref<320000xi32, #tpu.memory_space<hbm>> -> memref<80xi32, #tpu.memory_space<hbm>>
      tpu.enqueue_dma source(%dma_start3A_81 : memref<80xi32, #tpu.memory_space<hbm>>) target(%arg8 : memref<80xi32, #tpu.memory_space<vmem>>) target_semaphore(%arg12 : memref<!tpu.dma_semaphore, #tpu.memory_space<semaphore_mem>>)
      %add3A_82 = arith.constant 1 : i32
      %add3A_83 = arith.addi %mul3A_50, %add3A_82 : i32
      %mul3A_84 = arith.constant 80 : i32
      %mul3A_85 = arith.muli %add3A_83, %mul3A_84 : i32
      %add3A_86 = arith.addi %add3A, %mul3A_85 : i32
      %dma_wait3A_87 = arith.constant 0 : i32
      %dma_wait3A_88 = tpu.memref_slice %arg2[%add3A_86, %dma_wait3A_87] : memref<320000x128xf32, #tpu.memory_space<hbm>> -> memref<80x128xf32, #tpu.memory_space<hbm>>
      %dma_wait3A_89 = arith.constant 0 : i32
      %dma_wait3A_90 = tpu.memref_slice %arg2[%add3A_86, %dma_wait3A_89] : memref<320000x128xf32, #tpu.memory_space<hbm>> -> memref<80x128xf32, #tpu.memory_space<hbm>>
      tpu.wait_dma2 semaphore(%arg11 : memref<!tpu.dma_semaphore, #tpu.memory_space<semaphore_mem>>) src(%dma_wait3A_90 : memref<80x128xf32, #tpu.memory_space<hbm>>) dst(%arg7 : memref<80x128xf32, #tpu.memory_space<vmem>>)
      %dma_wait3A_91 = tpu.memref_slice %arg3[%add3A_86] : memref<320000xi32, #tpu.memory_space<hbm>> -> memref<80xi32, #tpu.memory_space<hbm>>
      %dma_wait3A_92 = tpu.memref_slice %arg3[%add3A_86] : memref<320000xi32, #tpu.memory_space<hbm>> -> memref<80xi32, #tpu.memory_space<hbm>>
      tpu.wait_dma2 semaphore(%arg13 : memref<!tpu.dma_semaphore, #tpu.memory_space<semaphore_mem>>) src(%dma_wait3A_92 : memref<80xi32, #tpu.memory_space<hbm>>) dst(%arg9 : memref<80xi32, #tpu.memory_space<vmem>>)
      "tpu.region"() ({
        %run_scoped3A = tpu.sem_alloc : memref<!tpu.dma_semaphore, #tpu.memory_space<semaphore_mem>>
        %dma_start3A_93 = arith.constant 0 : i32
        %dma_start3A_94 = arith.constant 0 : i32
        %dma_start3A_95 = tpu.memref_slice %arg5[%dma_start3A_93, %dma_start3A_94] : memref<10000x128xf32, #tpu.memory_space<vmem_shared>> -> memref<10000x128xf32, #tpu.memory_space<vmem_shared>>
        tpu.enqueue_indirect_dma source(%arg7 : memref<80x128xf32, #tpu.memory_space<vmem>>) target(%dma_start3A_95 : memref<10000x128xf32, #tpu.memory_space<vmem_shared>>) offsets(%arg9 : memref<80xi32, #tpu.memory_space<vmem>>) semaphore(%run_scoped3A : memref<!tpu.dma_semaphore, #tpu.memory_space<semaphore_mem>>) {add = true}
        %dma_wait3A_96 = arith.constant 0 : i32
        %dma_wait3A_97 = arith.constant 0 : i32
        %dma_wait3A_98 = tpu.memref_slice %arg5[%dma_wait3A_96, %dma_wait3A_97] : memref<10000x128xf32, #tpu.memory_space<vmem_shared>> -> memref<10000x128xf32, #tpu.memory_space<vmem_shared>>
        tpu.wait_indirect_dma semaphore(%run_scoped3A : memref<!tpu.dma_semaphore, #tpu.memory_space<semaphore_mem>>) src(%arg7 : memref<80x128xf32, #tpu.memory_space<vmem>>) dst(%dma_wait3A_98 : memref<10000x128xf32, #tpu.memory_space<vmem_shared>>)
        tpu.yield
      }) : () -> ()
    }
    %scan3A_39 = arith.constant 62 : i32
    %add3A_40 = arith.constant 9920 : i32
    %add3A_41 = arith.addi %add3A, %add3A_40 : i32
    %dma_wait3A = arith.constant 0 : i32
    %dma_wait3A_42 = tpu.memref_slice %arg2[%add3A_41, %dma_wait3A] : memref<320000x128xf32, #tpu.memory_space<hbm>> -> memref<80x128xf32, #tpu.memory_space<hbm>>
    %dma_wait3A_43 = arith.constant 0 : i32
    %dma_wait3A_44 = tpu.memref_slice %arg2[%add3A_41, %dma_wait3A_43] : memref<320000x128xf32, #tpu.memory_space<hbm>> -> memref<80x128xf32, #tpu.memory_space<hbm>>
    tpu.wait_dma2 semaphore(%arg10 : memref<!tpu.dma_semaphore, #tpu.memory_space<semaphore_mem>>) src(%dma_wait3A_44 : memref<80x128xf32, #tpu.memory_space<hbm>>) dst(%arg6 : memref<80x128xf32, #tpu.memory_space<vmem>>)
    %dma_wait3A_45 = tpu.memref_slice %arg3[%add3A_41] : memref<320000xi32, #tpu.memory_space<hbm>> -> memref<80xi32, #tpu.memory_space<hbm>>
    %dma_wait3A_46 = tpu.memref_slice %arg3[%add3A_41] : memref<320000xi32, #tpu.memory_space<hbm>> -> memref<80xi32, #tpu.memory_space<hbm>>
    tpu.wait_dma2 semaphore(%arg12 : memref<!tpu.dma_semaphore, #tpu.memory_space<semaphore_mem>>) src(%dma_wait3A_46 : memref<80xi32, #tpu.memory_space<hbm>>) dst(%arg8 : memref<80xi32, #tpu.memory_space<vmem>>)
    "tpu.region"() ({
      %run_scoped3A = tpu.sem_alloc : memref<!tpu.dma_semaphore, #tpu.memory_space<semaphore_mem>>
      %dma_start3A_48 = arith.constant 0 : i32
      %dma_start3A_49 = arith.constant 0 : i32
      %dma_start3A_50 = tpu.memref_slice %arg5[%dma_start3A_48, %dma_start3A_49] : memref<10000x128xf32, #tpu.memory_space<vmem_shared>> -> memref<10000x128xf32, #tpu.memory_space<vmem_shared>>
      tpu.enqueue_indirect_dma source(%arg6 : memref<80x128xf32, #tpu.memory_space<vmem>>) target(%dma_start3A_50 : memref<10000x128xf32, #tpu.memory_space<vmem_shared>>) offsets(%arg8 : memref<80xi32, #tpu.memory_space<vmem>>) semaphore(%run_scoped3A : memref<!tpu.dma_semaphore, #tpu.memory_space<semaphore_mem>>) {add = true}
      %dma_wait3A_51 = arith.constant 0 : i32
      %dma_wait3A_52 = arith.constant 0 : i32
      %dma_wait3A_53 = tpu.memref_slice %arg5[%dma_wait3A_51, %dma_wait3A_52] : memref<10000x128xf32, #tpu.memory_space<vmem_shared>> -> memref<10000x128xf32, #tpu.memory_space<vmem_shared>>
      tpu.wait_indirect_dma semaphore(%run_scoped3A : memref<!tpu.dma_semaphore, #tpu.memory_space<semaphore_mem>>) src(%arg6 : memref<80x128xf32, #tpu.memory_space<vmem>>) dst(%dma_wait3A_53 : memref<10000x128xf32, #tpu.memory_space<vmem_shared>>)
      tpu.yield
    }) : () -> ()
    %barrier3A_47 = arith.constant 0 : index
    tpu.barrier barrier_id(%barrier3A_47)
    "tpu.region"() ({
      %run_scoped3A = tpu.sem_alloc : memref<!tpu.dma_semaphore, #tpu.memory_space<semaphore_mem>>
      %dma_start3A_48 = arith.constant 0 : i32
      %dma_start3A_49 = tpu.memref_slice %arg4[%arg0, %min3A_10, %dma_start3A_48] : memref<2x10000x128xf32, #tpu.memory_space<hbm>> -> memref<1x640x128xf32, #tpu.memory_space<hbm>>
      %dma_start3A_50 = tpu.memref_squeeze %dma_start3A_49 : memref<1x640x128xf32, #tpu.memory_space<hbm>> -> memref<640x128xf32, #tpu.memory_space<hbm>>
      %dma_start3A_51 = arith.constant 0 : i32
      %dma_start3A_52 = tpu.memref_slice %arg5[%min3A_10, %dma_start3A_51] : memref<10000x128xf32, #tpu.memory_space<vmem_shared>> -> memref<640x128xf32, #tpu.memory_space<vmem_shared>>
      tpu.enqueue_dma source(%dma_start3A_52 : memref<640x128xf32, #tpu.memory_space<vmem_shared>>) target(%dma_start3A_50 : memref<640x128xf32, #tpu.memory_space<hbm>>) target_semaphore(%run_scoped3A : memref<!tpu.dma_semaphore, #tpu.memory_space<semaphore_mem>>)
      %dma_wait3A_53 = arith.constant 0 : i32
      %dma_wait3A_54 = tpu.memref_slice %arg4[%arg0, %min3A_10, %dma_wait3A_53] : memref<2x10000x128xf32, #tpu.memory_space<hbm>> -> memref<1x640x128xf32, #tpu.memory_space<hbm>>
      %dma_wait3A_55 = tpu.memref_squeeze %dma_wait3A_54 : memref<1x640x128xf32, #tpu.memory_space<hbm>> -> memref<640x128xf32, #tpu.memory_space<hbm>>
      %dma_wait3A_56 = arith.constant 0 : i32
      %dma_wait3A_57 = tpu.memref_slice %arg5[%min3A_10, %dma_wait3A_56] : memref<10000x128xf32, #tpu.memory_space<vmem_shared>> -> memref<640x128xf32, #tpu.memory_space<vmem_shared>>
      tpu.wait_dma2 semaphore(%run_scoped3A : memref<!tpu.dma_semaphore, #tpu.memory_space<semaphore_mem>>) src(%dma_wait3A_57 : memref<640x128xf32, #tpu.memory_space<vmem_shared>>) dst(%dma_wait3A_55 : memref<640x128xf32, #tpu.memory_space<hbm>>)
      tpu.yield
    }) : () -> ()
    return
  }
}

module attributes {stable_mosaic.version = 14 : i64} {
  func.func @_gate_body(%arg0: i32, %arg1: memref<6400x128xf32, #tpu.memory_space<vmem>>, %arg2: memref<128x1xf32, #tpu.memory_space<vmem>>, %arg3: memref<1x1xf32, #tpu.memory_space<vmem>>, %arg4: memref<6400x128xf32, #tpu.memory_space<vmem>>) attributes {dimension_semantics = [#tpu.dimension_semantics<arbitrary>], iteration_bounds = array<i64: 50>, scalar_prefetch = 0 : i64, scratch_operands = 0 : i64, tpu.core_type = #tpu.core_type<tc>, window_params = [{transform_indices = @transform_0, window_bounds = array<i64: 6400, 128>}, {pipeline_mode = #tpu.pipeline_mode<synchronous>, transform_indices = @transform_1, window_bounds = array<i64: 128, 1>}, {pipeline_mode = #tpu.pipeline_mode<synchronous>, transform_indices = @transform_2, window_bounds = array<i64: 1, 1>}, {transform_indices = @transform_3, window_bounds = array<i64: 6400, 128>}]} {
    %get3A = arith.constant 0 : index
    %get3A_0 = arith.constant 0 : index
    %get3A_1 = vector.load %arg1[%get3A, %get3A_0] : memref<6400x128xf32, #tpu.memory_space<vmem>>, vector<6400x128xf32>
    %get3A_2 = arith.constant 0 : index
    %get3A_3 = arith.constant 0 : index
    %get3A_4 = vector.load %arg2[%get3A_2, %get3A_3] : memref<128x1xf32, #tpu.memory_space<vmem>>, vector<128x1xf32>
    %dot_general3A = arith.constant dense<0.000000e+00> : vector<6400x1xf32>
    %dot_general3A_5 = tpu.matmul %get3A_1, %get3A_4, %dot_general3A {dimension_numbers = #tpu.dot_dimension_numbers<[1], [0], [0], [1], [0, 0, 1, 1], [], []>, precision = #tpu.contract_precision<fp32>, transpose_lhs_hint = false} : vector<6400x128xf32>, vector<128x1xf32>, vector<6400x1xf32> -> vector<6400x1xf32>
    %reshape3A = vector.shape_cast %dot_general3A_5 : vector<6400x1xf32> to vector<50x128xf32>
    %get3A_6 = arith.constant 0 : index
    %get3A_7 = arith.constant 0 : index
    %get3A_8 = vector.load %arg3[%get3A_6, %get3A_7] : memref<1x1xf32, #tpu.memory_space<vmem>>, vector<1x1xf32>
    %add3A = vector.broadcast %get3A_8 : vector<1x1xf32> to vector<50x128xf32>
    %add3A_9 = arith.addf %reshape3A, %add3A : vector<50x128xf32>
    %neg3A = arith.constant 0.000000e+00 : f32
    %neg3A_10 = vector.broadcast %neg3A : f32 to vector<50x128xf32>
    %neg3A_11 = arith.subf %neg3A_10, %add3A_9 : vector<50x128xf32>
    %exp3A = math.exp %neg3A_11 : vector<50x128xf32>
    %add3A_12 = arith.constant 1.000000e+00 : f32
    %add3A_13 = vector.broadcast %add3A_12 : f32 to vector<50x128xf32>
    %add3A_14 = arith.addf %add3A_13, %exp3A : vector<50x128xf32>
    %div3A = arith.constant 1.000000e+00 : f32
    %div3A_15 = vector.broadcast %div3A : f32 to vector<50x128xf32>
    %div3A_16 = arith.divf %div3A_15, %add3A_14 : vector<50x128xf32>
    %reshape3A_17 = vector.shape_cast %div3A_16 : vector<50x128xf32> to vector<6400x1xf32>
    %mul3A = vector.broadcast %reshape3A_17 : vector<6400x1xf32> to vector<6400x128xf32>
    %mul3A_18 = arith.mulf %get3A_1, %mul3A : vector<6400x128xf32>
    %swap3A = arith.constant 0 : index
    %swap3A_19 = arith.constant 0 : index
    %swap3A_20 = vector.load %arg4[%swap3A, %swap3A_19] : memref<6400x128xf32, #tpu.memory_space<vmem>>, vector<6400x128xf32>
    tpu.vector_store %arg4[%swap3A, %swap3A_19], %mul3A_18 {strides = array<i32>} : memref<6400x128xf32, #tpu.memory_space<vmem>>, vector<6400x128xf32>,
    return
  }
  func.func @transform_0(%arg0: i32) -> (i32, i32) {
    %c0_i32 = arith.constant 0 : i32
    %c0_i32_0 = arith.constant 0 : i32
    return %arg0, %c0_i32 : i32, i32
  }
  func.func @transform_1(%arg0: i32) -> (i32, i32) {
    %c0_i32 = arith.constant 0 : i32
    %c0_i32_0 = arith.constant 0 : i32
    %c0_i32_1 = arith.constant 0 : i32
    return %c0_i32, %c0_i32_0 : i32, i32
  }
  func.func @transform_2(%arg0: i32) -> (i32, i32) {
    %c0_i32 = arith.constant 0 : i32
    %c0_i32_0 = arith.constant 0 : i32
    %c0_i32_1 = arith.constant 0 : i32
    return %c0_i32, %c0_i32_0 : i32, i32
  }
  func.func @transform_3(%arg0: i32) -> (i32, i32) {
    %c0_i32 = arith.constant 0 : i32
    %c0_i32_0 = arith.constant 0 : i32
    return %arg0, %c0_i32 : i32, i32
  }
}

module attributes {stable_mosaic.version = 14 : i64} {
  func.func @_assemble_body(%arg0: i32, %arg1: memref<2x5000x128xf32, #tpu.memory_space<vmem>>, %arg2: memref<5000x128xf32, #tpu.memory_space<vmem>>) attributes {dimension_semantics = [#tpu.dimension_semantics<arbitrary>], iteration_bounds = array<i64: 64>, scalar_prefetch = 0 : i64, scratch_operands = 0 : i64, tpu.core_type = #tpu.core_type<tc>, window_params = [{transform_indices = @transform_0, window_bounds = array<i64: 2, 5000, 128>}, {transform_indices = @transform_1, window_bounds = array<i64: 5000, 128>}]} {
    %lt3A = arith.constant 2 : i32
    %lt3A_0 = arith.cmpi slt, %arg0, %lt3A : i32
    %convert_element_type3A = arith.extui %lt3A_0 : i1 to i32
    %cond3A = arith.constant 0 : i32
    %cond3A_1 = arith.cmpi ne, %convert_element_type3A, %cond3A : i32
    scf.if %cond3A_1 {
      %get3A = arith.constant 0 : index
      %get3A_6 = arith.constant 0 : index
      %get3A_7 = arith.constant 0 : index
      %get3A_8 = vector.load %arg1[%get3A, %get3A_6, %get3A_7] : memref<2x5000x128xf32, #tpu.memory_space<vmem>>, vector<1x5000x128xf32>
      %get3A_9 = vector.shape_cast %get3A_8 : vector<1x5000x128xf32> to vector<5000x128xf32>
      %get3A_10 = arith.constant 1 : index
      %get3A_11 = arith.constant 0 : index
      %get3A_12 = arith.constant 0 : index
      %get3A_13 = vector.load %arg1[%get3A_10, %get3A_11, %get3A_12] : memref<2x5000x128xf32, #tpu.memory_space<vmem>>, vector<1x5000x128xf32>
      %get3A_14 = vector.shape_cast %get3A_13 : vector<1x5000x128xf32> to vector<5000x128xf32>
      %add3A = arith.addf %get3A_9, %get3A_14 : vector<5000x128xf32>
      %swap3A = arith.constant 0 : index
      %swap3A_15 = arith.constant 0 : index
      %swap3A_16 = vector.load %arg2[%swap3A, %swap3A_15] : memref<5000x128xf32, #tpu.memory_space<vmem>>, vector<5000x128xf32>
      tpu.vector_store %arg2[%swap3A, %swap3A_15], %add3A {strides = array<i32>} : memref<5000x128xf32, #tpu.memory_space<vmem>>, vector<5000x128xf32>,
    } else {
    }
    %ge3A = arith.constant 2 : i32
    %ge3A_2 = arith.cmpi sge, %arg0, %ge3A : i32
    %convert_element_type3A_3 = arith.extui %ge3A_2 : i1 to i32
    %cond3A_4 = arith.constant 0 : i32
    %cond3A_5 = arith.cmpi ne, %convert_element_type3A_3, %cond3A_4 : i32
    scf.if %cond3A_5 {
      %broadcast_in_dim3A = arith.constant 0.000000e+00 : f32
      %broadcast_in_dim3A_6 = vector.broadcast %broadcast_in_dim3A : f32 to vector<5000x128xf32>
      %swap3A = arith.constant 0 : index
      %swap3A_7 = arith.constant 0 : index
      %swap3A_8 = vector.load %arg2[%swap3A, %swap3A_7] : memref<5000x128xf32, #tpu.memory_space<vmem>>, vector<5000x128xf32>
      tpu.vector_store %arg2[%swap3A, %swap3A_7], %broadcast_in_dim3A_6 {strides = array<i32>} : memref<5000x128xf32, #tpu.memory_space<vmem>>, vector<5000x128xf32>,
    } else {
    }
    return
  }
  func.func @transform_0(%arg0: i32) -> (i32, i32, i32) {
    %min3A = arith.constant 1 : i32
    %min3A_0 = arith.minsi %arg0, %min3A : i32
    %c0_i32 = arith.constant 0 : i32
    %c0_i32_1 = arith.constant 0 : i32
    %c0_i32_2 = arith.constant 0 : i32
    return %c0_i32, %min3A_0, %c0_i32_1 : i32, i32, i32
  }
  func.func @transform_1(%arg0: i32) -> (i32, i32) {
    %c0_i32 = arith.constant 0 : i32
    %c0_i32_0 = arith.constant 0 : i32
    return %arg0, %c0_i32 : i32, i32
  }
}

</mosaic_0001>

<sc_bundles>
// kernel: kernel.5.cloned.1.call-start
scs
__scs_entry_jumppad:
0x0: {  	(pc) =	sbr.rel $0x88, $3  }
0x1: {  	(tag) =	ssettag $0x0;
	lr =	simm.s32 $0x1  }
0x2: {  	[smem:$0x3F9D] =	sst lr;
	_ =	strace $0xD0000000  }
0x3: {  	_ = 	snop  }
0x4: {  	_ = 	snop  }
0x5: {  	_ = 	snop  }
0x6: {  	_ = 	snop  }
0x7: {  	_ = 	snop  }
__scs_overlays_trampoline_lowered:
0x8: {  	[smem:$0x3FAC] =	sst s0  }
0x9: {  	[smem:$0x3FAD] =	sst s1  }
0xa: {  	[smem:$0x3FAE] =	sst s2  }
0xb: {  	[smem:$0x3FAF] =	sst s3  }
0xc: {  	[smem:$0x3FB0] =	sst s4  }
0xd: {  	[smem:$0x3FB1] =	sst s5  }
0xe: {  	[smem:$0x3FB2] =	sst s6  }
0xf: {  	[smem:$0x3FB3] =	sst s7  }
0x10: {  	[smem:$0x3FB4] =	sst s8  }
0x11: {  	[smem:$0x3FB5] =	sst s9;
	s0 =	simm.s32 @!p0 $0x0  }
0x12: {  	s1 =	sld [smem:$0x3F9B];
	s0 =	simm.s32 @p0 $0x1  }
0x13: {  	[smem:$0x3FB6] =	sst s0;
	s0 =	simm.s32 @!p1 $0x0  }
0x14: {  	s2 =	sld [smem:$0x3F9A];
	s0 =	simm.s32 @p1 $0x1  }
0x15: {  	[smem:$0x3FB7] =	sst s0;
	s0 =	simm.s32 @!p2 $0x0  }
0x16: {  	s3 =	sld [smem:$0x3FDB];
	s0 =	simm.s32 @p2 $0x1  }
0x17: {  	s4 =	simm.s32 $0x1BF5;
	[smem:$0x3FB9] =	sst s0  }
0x18: {  	s0 =	sld [smem:$0x3F9C];
	_ =	swait.ge [sflag:s4], $0x0  }
0x19: {  	s7 =	sld [smem:$0x3F9D]  }
0x1a: {  	s8 =	sadd.s32 $0xFFFFE003, lr  }
0x1b: {  	s9 =	sadd.s32 $0xFFFFFEF7, lr;
	s5 =	simm.s32 $0xFFFFFFFF;
	p2 =	slt.u32 s8, $0xFFFFF086  }
0x1c: {  	p1 =	slt.u32 s9, $0xF7A;
	s5 =	simm.s32 @!p2 $0x0  }
0x1d: {  	s5 =	simm.s32 @p1 $0x1;
	p0 =	seq.s32 s7, s2  }
0x1e: {  	s7 =	smul.u32 @!p0 $0xF7A, s2;
	p2 =	seq.s32 @!p0 s5, $0x0  }
0x1f: {  	s9 =	smul.u32 $0xF7A, s1;
	s8 =	simm.s32 @!p0 $0x1BF5;
	p2 =	por !p2, p0  }
0x20: {  	[sflag:s8] =	ssyncset.s32 @!p0 $0xFFFFF086;
	s6 =	sadd.s32 @!p0 s3, s7;
	s7 =	simm.s32 @!p0 $0x108  }
0x21: {  	s3 =	sadd.s32 s3, s9;
	s6 =	sadd.s32 @!p0 $0x88, s6;
	s7 =	simm.s32 @p2 $0x1082  }
0x22: {  	[simem:s7], [sflag:s8] =	dma.local @!p0 [hbm:s6], $0xF7A  }
0x23: {  	s9 =	sor.u32 $0xD0000000, s2;
	s6 =	simm.s32 $0x108;
	_ =	swait.ge @!p0 [sflag:s8], $0x0  }
0x24: {  	s3 =	sadd.s32 $0x88, s3;
	s6 =	simm.s32 @!p1 $0x1082;
	[sflag:s4] =	ssyncset.s32 $0xFFFFF086  }
0x25: {  	[simem:s6], [sflag:s4] =	dma.local [hbm:s3], $0xF7A  }
0x26: {  	[smem:$0x3F9D] =	sst s1;
	(tag) =	ssettag s2;
	_ =	strace s9  }
0x27: {  	s1 =	sld [smem:$0x3FAD]  }
0x28: {  	s2 =	sld [smem:$0x3FAE]  }
0x29: {  	s4 =	sld [smem:$0x3FB0]  }
0x2a: {  	p0 =	seq.s32 s5, $0x0;
	s5 =	sld [smem:$0x3FB1]  }
0x2b: {  	s6 =	sld [smem:$0x3FB2]  }
0x2c: {  	s7 =	sld [smem:$0x3FB3]  }
0x2d: {  	s3 =	simm.s32 $0x108;
	s8 =	sld [smem:$0x3FB4]  }
0x2e: {  	s3 =	simm.s32 @!p0 $0x1082;
	s9 =	sld [smem:$0x3FB5]  }
0x2f: {  	lr =	sadd.s32 s0, s3;
	s0 =	sld [smem:$0x3FAC]  }
0x30: {  	s3 =	sld [smem:$0x3FAF]  }
0x31: {  	[smem:$0x3FB8] =	sst s10  }
0x32: {  	s10 =	sld [smem:$0x3FB6];
	_ =	sdelay $0x3  }
0x33: {  	p0 =	seq.s32 s10, $0x1;
	s10 =	sld [smem:$0x3FB8];
	_ =	sdelay $0x3  }
0x34: {  	[smem:$0x3FB8] =	sst s10  }
0x35: {  	s10 =	sld [smem:$0x3FB7];
	_ =	sdelay $0x3  }
0x36: {  	p1 =	seq.s32 s10, $0x1;
	s10 =	sld [smem:$0x3FB8];
	_ =	sdelay $0x3  }
0x37: {  	[smem:$0x3FB8] =	sst s10  }
0x38: {  	s10 =	sld [smem:$0x3FB9]  }
0x39: {  	_ = 	snop;
	(pc) =	sbr.ind lr, $3  }
0x3a: {  	_ = 	snop  }
0x3b: {  	_ = 	snop  }
0x3c: {  	p2 =	seq.s32 s10, $0x1;
	s10 =	sld [smem:$0x3FB8]  }
0x3d: {  	_ =	shalt  }
0x3e: {  	_ =	shalt  }
0x3f: {  	_ =	shalt  }
0x40: {  	_ =	shalt  }
0x41: {  	_ =	shalt  }
0x42: {  	_ =	shalt  }
0x43: {  	_ =	shalt  }
0x44: {  	_ =	shalt  }
0x45: {  	_ =	shalt  }
0x46: {  	_ =	shalt  }
0x47: {  	_ =	shalt  }
0x48: {  	_ =	shalt  }
0x49: {  	_ =	shalt  }
0x4a: {  	_ =	shalt  }
0x4b: {  	_ =	shalt  }
0x4c: {  	_ =	shalt  }
0x4d: {  	_ =	shalt  }
0x4e: {  	_ =	shalt  }
0x4f: {  	_ =	shalt  }
0x50: {  	_ =	shalt  }
0x51: {  	_ =	shalt  }
0x52: {  	_ =	shalt  }
0x53: {  	_ =	shalt  }
0x54: {  	_ =	shalt  }
0x55: {  	_ =	shalt  }
0x56: {  	_ =	shalt  }
0x57: {  	_ =	shalt  }
0x58: {  	_ =	shalt  }
0x59: {  	_ =	shalt  }
0x5a: {  	_ =	shalt  }
0x5b: {  	_ =	shalt  }
0x5c: {  	_ =	shalt  }
0x5d: {  	_ =	shalt  }
0x5e: {  	_ =	shalt  }
0x5f: {  	_ =	shalt  }
0x60: {  	_ =	shalt  }
0x61: {  	_ =	shalt  }
0x62: {  	_ =	shalt  }
0x63: {  	_ =	shalt  }
0x64: {  	_ =	shalt  }
0x65: {  	_ =	shalt  }
0x66: {  	_ =	shalt  }
0x67: {  	_ =	shalt  }
0x68: {  	_ =	shalt  }
0x69: {  	_ =	shalt  }
0x6a: {  	_ =	shalt  }
0x6b: {  	_ =	shalt  }
0x6c: {  	_ =	shalt  }
0x6d: {  	_ =	shalt  }
0x6e: {  	_ =	shalt  }
0x6f: {  	_ =	shalt  }
0x70: {  	_ =	shalt  }
0x71: {  	_ =	shalt  }
0x72: {  	_ =	shalt  }
0x73: {  	_ =	shalt  }
0x74: {  	_ =	shalt  }
0x75: {  	_ =	shalt  }
0x76: {  	_ =	shalt  }
0x77: {  	_ =	shalt  }
0x78: {  	_ =	shalt  }
0x79: {  	_ =	shalt  }
0x7a: {  	_ =	shalt  }
0x7b: {  	_ =	shalt  }
0x7c: {  	_ =	shalt  }
0x7d: {  	_ =	shalt  }
0x7e: {  	_ =	shalt  }
0x7f: {  	_ =	shalt  }
0x80: {  	_ =	shalt  }
0x81: {  	_ =	shalt  }
0x82: {  	_ =	shalt  }
0x83: {  	_ =	shalt  }
0x84: {  	_ =	shalt  }
0x85: {  	_ =	shalt  }
0x86: {  	_ =	shalt  }
0x87: {  	_ =	shalt  }
.Lfunc_end0:
.L_simem_size_0:
called_computation_lowered:
.L_overlay_start_0:
0x88: {  	s2 =	sld [smem:$0x3FD9]  }
0x89: {  	s3 =	sld [smem:$0x3FFE];
	_ =	sdelay $0x1  }
0x8a: {  	s1 =	srdreg.scid  }
0x8b: {  	s0 =	sand.u32 $0x1, s1  }
0x8c: {  	s17 =	sshll.u32 s0, $0xA;
	s2 =	sadd.s32 s3, s2  }
0x8d: {  	s2 =	sadd.s32 s2, s17  }
0x8e: {  	[smem:$0x3FC4] =	sst s2  }
0x8f: {  	_ = 	snop  }
0x90: {  	s2 =	sld [smem:$0x3FC8]  }
0x91: {  	s18 =	sld [smem:$0x3FD0];
	(tm) =	ssettm $0x1  }
0x92: {  	s4 =	sld [smem:$0x3FFB];
	_ =	sdelay $0x3  }
0x93: {  	_ =	strace s4  }
0x94: {  	s4 =	sld [smem:$0x3FFC];
	_ =	sdelay $0x3  }
0x95: {  	_ =	strace s4  }
0x96: {  	s4 =	sld [smem:$0x3FFD];
	_ =	sdelay $0x3  }
0x97: {  	_ =	strace s4  }
0x98: {  	_ =	strace $0x8FFFFFFF  }
0x99: {  	s19 =	sld [smem:$0x3FDB];
	_ =	sdelay $0x1  }
0x9a: {  	s5 =	simm.s32 $_scs_section_size  }
0x9b: {  	s6 =	simm.s32 $_size__tile_overlayer_lowered;
	s7 =	simm.s32 $_tile_overlayer_lowered  }
0x9c: {  	s22 =	simm.s32 $0x1BFF;
	s21 =	sshll.u32 s7, $0x1;
	s4 =	sadd.s32 s5, s19  }
0x9d: {  	s8 =	simm.s32 $0x0;
	s20 =	sshll.u32 s6, $0x1;
	s6 =	sadd.s32 s21, s4  }
0x9e: {  	[timem:s8], [sflag:s22] =	dma.local [hbm:s6], s20  }
0x9f: {  	_ =	swait.ge [sflag:s22], s20  }
0xa0: {  	s5 =	ssub.s32 $0x0, s20;
	[sflag:s22] =	ssyncset.done $0x0  }
0xa1: {  	[sflag:s22] =	ssyncadd.s32 s5;
	_ =	sdelay $0x1  }
0xa2: {  	s23 =	simm.s32 $0x1B8B  }
0xa3: {  	_ =	swait.ge [sflag:s23], $0x1  }
0xa4: {  	[sflag:s23] =	ssyncset.done $0x0  }
0xa5: {  	s25 =	simm.s32 $0x1B8E;
	s24 =	sld [smem:$0x3FFE];
	[sflag:s23] =	ssyncadd.s32 $0xFFFFFFFF  }
0xa6: {  	s26 =	simm.s32 $execute0_lowered;
	[smem:$0x3FD2] =	sst s25  }
0xa7: {  	s6 =	sshll.u32 s26, $0x1;
	_ =	strace $0x80000046;
	[dreg:$0x1] =	wrdreg $0xFFFFFFFF  }
0xa8: {  	s28 =	simm.s32 $_size_execute0_lowered;
	s4 =	sadd.s32 s4, s6;
	[dreg:$0x0] =	wrdreg $0x0  }
0xa9: {  	s6 =	sshll.u32 s28, $0x1;
	[dreg:$0x2] =	wrdreg s4  }
0xaa: {  	[dreg:$0x3] =	wrdreg s6  }
0xab: {  	[dreg:$0x4] =	wrdreg $0xC0  }
0xac: {  	_ =	task [dreg:s8], $0x5FFFF  }
0xad: {  	[dreg:$0x1] =	wrdreg $0xFFFFFFFF  }
0xae: {  	[dreg:$0x0] =	wrdreg $0x60  }
0xaf: {  	[dreg:$0x2] =	wrdreg s18  }
0xb0: {  	[dreg:$0x3] =	wrdreg s2  }
0xb1: {  	[dreg:$0x4] =	wrdreg s24  }
0xb2: {  	[dreg:$0x5] =	wrdreg $0x0  }
0xb3: {  	[dreg:$0x6] =	wrdreg $0x9  }
0xb4: {  	_ =	task.clear_ibuf [dreg:s8], $0x7FFFF;
	_ =	strace $0x90000046  }
0xb5: {  	s29 =	simm.s32 $0x9;
	_ =	strace $0x80000048  }
0xb6: {  	_ =	swait.ge [sflag:s29], $0x1  }
0xb7: {  	[sflag:s29] =	ssyncadd.s32 $0xFFFFFFFF  }
0xb8: {  	_ =	strace $0x90000048  }
0xb9: {  	_ =	sfence  }
0xba: {  	s30 =	sld [smem:$0x0];
	_ =	sdelay $0x2  }
0xbb: {  	s31 =	sshll.u32 s1, $0xD;
	s1 =	sshrl.u32 s1, $0x2  }
0xbc: {  	s3 =	sand.u32 $0x4000, s31;
	s1 =	sadd.s32 s1, s30  }
0xbd: {  	s0 =	sor.u32 s3, s0;
	s1 =	sshll.u32 s1, $0x11  }
0xbe: {  	s0 =	sor.u32 s1, s0  }
0xbf: {  	s0 =	sadd.s32 $0x8F2B, s0  }
0xc0: {  	[sflag:s0] =	ssyncadd.remote.s32 $0x1  }
0xc1: {  	_ =	sfence.sel $0xFFFF  }
0xc2: {  	[dreg:$0x0] =	wrdreg $0xFFFFFFFF;
	(pc) =	sbr.abs _section_cstart, $3  }
0xc3: {  	[dreg:$0x1] =	wrdreg $0xFFFFFFFF  }
0xc4: {  	_ =	task.clear_ibuf [dreg:s8], $0x2FFFF;
	_ =	strace $0x9FFFFFFF  }
0xc5: {  	(tm) =	ssettm $0x7FFFFFFF  }
tec
execute0_lowered:
.L_overlay_start_1:
0x0: {  	(tag) =	ssettag $0x1  }
0x1: {  	s0 =	rddreg [dreg:$0x0]  }
0x2: {  	s1 =	rddreg [dreg:$0x1];
	s14 =	stileid.u32  }
0x3: {  	s2 =	srdreg.scid;
	s4 =	smul.u32 $0x280, s14  }
0x4: {  	s5 =	rddreg [dreg:$0x2];
	s10 =	smul.u32 $0x2710, s14  }
0x5: {  	s3 =	rddreg [dreg:$0x3];
	s2 =	sand.u32 $0x1, s2;
	s17 =	smul.u32 $0x27100, s14  }
0x6: {  	s28 =	simm.s32 $0x50;
	s29 =	simm.s32 $0x2;
	s7 =	smul.u32 $0x138800, s2  }
0x7: {  	s30 =	simm.s32 $0x4;
	s31 =	simm.s32 $0x0;
	s8 =	smul.u32 $0x27100, s2  }
0x8: {  	s9 =	ssub.s32 $0x2, s2;
	s2 =	smul.u32 $0x271000, s2;
	s6 =	smin.u32 s4, $0x2490  }
0x9: {  	s4 =	simm.s32 $0x0;
	s20 =	sshrl.u32 s9, $0x1;
	s6 =	sshll.u32 s6, $0x7  }
0xa: {  	[smem:$0x7FF] =	sst s4;
	s16 =	ssub.s32 s9, s20;
	s18 =	sadd.s32 s10, s8  }
0xb: {  	s20 =	simm.s32 $0x13880;
	s7 =	sadd.s32 s7, s6;
	_ =	strace $0x80000047  }
0xc: {  	s24 =	sshll.u32 s18, $0x4;
	s25 =	sshrl.u32 s18, $0x3;
	s16 =	smax.u32 s16, $0x1  }
0xd: {  	s26 =	sadd.s32 $0x50, s18;
	s7 =	sshrl.u32 s7, $0x3;
	s13 =	sadd.s32 s0, s24  }
0xe: {  	s14 =	sadd.s32 s1, s25;
	s0 =	sadd.s32 s2, s0;
	s2 =	sshrl.u32 s26, $0x3  }
0xf: {  	s24 =	simm.s32 $0x18900;
	s25 =	simm.s32 $0x1;
	s26 =	simm.s32 $0x3  }
0x10: {  	s7 =	sadd.s32 s7, s5;
	s5 =	sadd.s32 s6, s3;
	s0 =	sadd.s32 s17, s0  }
0x11: {  	s19 =	sadd.s32 s2, s1;
	s6 =	sadd.s32 $0x2800, s5;
	s21 =	sadd.s32 $0x5000, s5  }
0x12: {  	s22 =	sadd.s32 $0x7800, s5;
	s23 =	sadd.s32 $0xA000, s5;
	[dreg:$0x5] =	wrdreg s6  }
0x13: {  	s10 =	sadd.s32 $0xC800, s5;
	s11 =	sadd.s32 $0xF000, s5;
	[dreg:$0x6] =	wrdreg s21  }
0x14: {  	s12 =	sadd.s32 $0x11800, s5;
	s15 =	sadd.s32 $0x600, s7;
	[dreg:$0x7] =	wrdreg s22  }
0x15: {  	s17 =	sadd.s32 $0xA00, s0;
	s0 =	sadd.s32 $0xA0, s18;
	[dreg:$0x8] =	wrdreg s23  }
0x16: {  	v0 =	vimm.f32 $0.0e+00;
	s21 =	simm.s32 $0x5;
	s22 =	simm.s32 $0x18880;
	s23 =	simm.s32 $0x16080  }
.LBB2_1:
0x17: {  	s2 =	simm.s32 $0x0;
	s6 =	simm.s32 $0x200  }
.LBB2_2:
0x18: {  	p0 =	sne.s32 s6, $0x9E00;
	[tilespmem:s2+$0x138F0] =	vst v0  }
0x19: {  	[tilespmem:s2+$0x13880] =	vst v0  }
0x1a: {  	[tilespmem:s2+$0x13890] =	vst v0  }
.Ltmp0:
0x1b: {  	[tilespmem:s2+$0x138A0] =	vst v0;
	(pc) =	sbr.rel @p0 .LBB2_2-.Ltmp0, $4  }
0x1c: {  	[tilespmem:s2+$0x138B0] =	vst v0  }
0x1d: {  	[tilespmem:s2+$0x138C0] =	vst v0  }
0x1e: {  	[tilespmem:s2+$0x138D0] =	vst v0  }
0x1f: {  	[tilespmem:s2+$0x138E0] =	vst v0;
	s2 =	sshra.s32 s6, $0x2;
	s6 =	sadd.s32 $0x200, s6  }
0x20: {  	[tilespmem:s2+$0x138F0] =	vst v0  }
0x21: {  	[tilespmem:s2+$0x13880] =	vst v0  }
0x22: {  	[tilespmem:s2+$0x13890] =	vst v0  }
0x23: {  	[tilespmem:s2+$0x138A0] =	vst v0  }
0x24: {  	[tilespmem:s2+$0x138B0] =	vst v0  }
0x25: {  	[tilespmem:s2+$0x138C0] =	vst v0  }
0x26: {  	[tilespmem:s2+$0x138D0] =	vst v0  }
0x27: {  	[tilespmem:s2+$0x138E0] =	vst v0  }
0x28: {  	[spmem:s5] =	stream.linear.scatter [tilespmem:s20], [sflag:$0x5], $0x2800, $0x38;
	[tilespmem:$0x18980] =	vst v63  }
0x29: {  	_ =	swait.ge [sflag:s21], $0x2800  }
0x2a: {  	[sflag:s21] =	ssyncset.done $0x0  }
0x2b: {  	s8 =	rddreg [dreg:$0x5];
	[sflag:s21] =	ssyncadd.s32 $0xFFFFD800  }
0x2c: {  	[spmem:s8] =	stream.linear.scatter [tilespmem:s20], [sflag:$0x5], $0x2800, $0x38;
	[tilespmem:$0x18980] =	vst v63  }
0x2d: {  	_ =	swait.ge [sflag:s21], $0x2800  }
0x2e: {  	[sflag:s21] =	ssyncset.done $0x0  }
0x2f: {  	s9 =	rddreg [dreg:$0x6];
	[sflag:s21] =	ssyncadd.s32 $0xFFFFD800  }
0x30: {  	[spmem:s9] =	stream.linear.scatter [tilespmem:s20], [sflag:$0x5], $0x2800, $0x38;
	[tilespmem:$0x18980] =	vst v63  }
0x31: {  	_ =	swait.ge [sflag:s21], $0x2800  }
0x32: {  	[sflag:s21] =	ssyncset.done $0x0  }
0x33: {  	s18 =	rddreg [dreg:$0x7];
	[sflag:s21] =	ssyncadd.s32 $0xFFFFD800  }
0x34: {  	[spmem:s18] =	stream.linear.scatter [tilespmem:s20], [sflag:$0x5], $0x2800, $0x38;
	[tilespmem:$0x18980] =	vst v63  }
0x35: {  	_ =	swait.ge [sflag:s21], $0x2800  }
0x36: {  	[sflag:s21] =	ssyncset.done $0x0  }
0x37: {  	s6 =	rddreg [dreg:$0x8];
	[sflag:s21] =	ssyncadd.s32 $0xFFFFD800  }
0x38: {  	[spmem:s6] =	stream.linear.scatter [tilespmem:s20], [sflag:$0x5], $0x2800, $0x38;
	[tilespmem:$0x18980] =	vst v63  }
0x39: {  	_ =	swait.ge [sflag:s21], $0x2800  }
0x3a: {  	[sflag:s21] =	ssyncset.done $0x0  }
0x3b: {  	[sflag:s21] =	ssyncadd.s32 $0xFFFFD800  }
0x3c: {  	[spmem:s10] =	stream.linear.scatter [tilespmem:s20], [sflag:$0x5], $0x2800, $0x38;
	[tilespmem:$0x18980] =	vst v63  }
0x3d: {  	_ =	swait.ge [sflag:s21], $0x2800  }
0x3e: {  	[sflag:s21] =	ssyncset.done $0x0  }
0x3f: {  	[sflag:s21] =	ssyncadd.s32 $0xFFFFD800  }
0x40: {  	[spmem:s11] =	stream.linear.scatter [tilespmem:s20], [sflag:$0x5], $0x2800, $0x38;
	[tilespmem:$0x18980] =	vst v63  }
0x41: {  	_ =	swait.ge [sflag:s21], $0x2800  }
0x42: {  	[sflag:s21] =	ssyncset.done $0x0  }
0x43: {  	[sflag:s21] =	ssyncadd.s32 $0xFFFFD800  }
0x44: {  	[spmem:s12] =	stream.linear.scatter [tilespmem:s20], [sflag:$0x5], $0x2800, $0x38;
	[tilespmem:$0x18980] =	vst v63  }
0x45: {  	_ =	swait.ge [sflag:s21], $0x2800  }
0x46: {  	[sflag:s21] =	ssyncset.done $0x0  }
0x47: {  	[sflag:s21] =	ssyncadd.s32 $0xFFFFD800  }
0x48: {  	s7 =	simm.s32 $0x0;
	[bflag:$0x0] =	sbarrier.arrive $0xFFFF  }
0x49: {  	[tilespmem:s20], [sflag:$0x1] =	stream.linear.gather [hbm4b:s13+s7], $0x2800, $0x38;
	[tilespmem:$0x18980] =	vst v63  }
0x4a: {  	_ = 	snop  }
0x4b: {  	[tilespmem:s22], [sflag:$0x3] =	stream.linear.gather [hbm4b:s14+s7], $0x50, $0x38;
	[tilespmem:$0x18980] =	vst v63  }
0x4c: {  	s8 =	sadd.s32 $0xFFFFFB00, s17  }
0x4d: {  	[tilespmem:s23], [sflag:$0x2] =	stream.linear.gather [hbm4b:s8+s4], $0x2800, $0x38;
	[tilespmem:$0x18980] =	vst v63  }
0x4e: {  	s9 =	sadd.s32 $0x0, s19  }
0x4f: {  	[tilespmem:s24], [sflag:$0x4] =	stream.linear.gather [hbm4b:s9+s4], $0x50, $0x38;
	[tilespmem:$0x18980] =	vst v63  }
0x50: {  	_ =	swait.ge [sflag:s25], $0x2800  }
0x51: {  	[sflag:s25] =	ssyncset.done $0x0  }
0x52: {  	[sflag:s25] =	ssyncadd.s32 $0xFFFFD800  }
0x53: {  	_ =	swait.ge [sflag:s26], $0x50  }
0x54: {  	[sflag:s26] =	ssyncset.done $0x0  }
0x55: {  	[sflag:s26] =	ssyncadd.s32 $0xFFFFFFB0  }
0x56: {  	[spmem:s3] =	stream.indirect.scatter.add.f32 [tilespmem:s20], [sflag:$0x5], $0x80, s22, s28, $0xb8;
	[tilespmem:$0x18980] =	vst v63  }
0x57: {  	_ =	swait.ge [sflag:s21], $0x2800  }
0x58: {  	[sflag:s21] =	ssyncset.done $0x0  }
0x59: {  	s18 =	sshrl.u32 s0, $0x3;
	[sflag:s21] =	ssyncadd.s32 $0xFFFFD800  }
0x5a: {  	[tilespmem:s20], [sflag:$0x1] =	stream.linear.gather [hbm4b:s17+s4], $0x2800, $0x38;
	[tilespmem:$0x18980] =	vst v63  }
0x5b: {  	s2 =	sadd.s32 s1, s18  }
0x5c: {  	[tilespmem:s22], [sflag:$0x3] =	stream.linear.gather [hbm4b:s2+s4], $0x50, $0x38;
	[tilespmem:$0x18980] =	vst v63  }
0x5d: {  	_ =	swait.ge [sflag:s29], $0x2800  }
0x5e: {  	[sflag:s29] =	ssyncset.done $0x0  }
0x5f: {  	[sflag:s29] =	ssyncadd.s32 $0xFFFFD800  }
0x60: {  	_ =	swait.ge [sflag:s30], $0x50  }
0x61: {  	[sflag:s30] =	ssyncset.done $0x0  }
0x62: {  	[sflag:s30] =	ssyncadd.s32 $0xFFFFFFB0  }
0x63: {  	[spmem:s3] =	stream.indirect.scatter.add.f32 [tilespmem:s23], [sflag:$0x5], $0x80, s24, s28, $0xb8;
	[tilespmem:$0x18980] =	vst v63  }
0x64: {  	s18 =	smov.u32 s0;
	s6 =	simm.s32 $0x14;
	_ =	swait.ge [sflag:s21], $0x2800  }
0x65: {  	s7 =	simm.s32 $0x28;
	s2 =	sadd.s32 $0xA00, s17;
	[sflag:s21] =	ssyncset.done $0x0  }
.LBB2_4:
0x66: {  	s8 =	sadd.s32 $0xFFFFFB00, s2  }
0x67: {  	[sflag:s21] =	ssyncadd.s32 $0xFFFFD800;
	s18 =	sadd.s32 $0xA0, s18;
	s9 =	smov.u32 s7  }
0x68: {  	[tilespmem:s23], [sflag:$0x2] =	stream.linear.gather [hbm4b:s8+s4], $0x2800, $0x38;
	[tilespmem:$0x18980] =	vst v63  }
0x69: {  	p0 =	sne.s32 s7, $0x4C4;
	s7 =	sadd.s32 $0x14, s7;
	s6 =	sadd.s32 s6, s19  }
0x6a: {  	[tilespmem:s24], [sflag:$0x4] =	stream.linear.gather [hbm4b:s6+s4], $0x50, $0x38;
	[tilespmem:$0x18980] =	vst v63  }
0x6b: {  	s6 =	smov.u32 s9;
	_ =	swait.ge [sflag:s25], $0x2800  }
0x6c: {  	[sflag:s25] =	ssyncset.done $0x0  }
0x6d: {  	[sflag:s25] =	ssyncadd.s32 $0xFFFFD800  }
0x6e: {  	_ =	swait.ge [sflag:s26], $0x50  }
0x6f: {  	[sflag:s26] =	ssyncset.done $0x0  }
0x70: {  	[sflag:s26] =	ssyncadd.s32 $0xFFFFFFB0  }
0x71: {  	[spmem:s3] =	stream.indirect.scatter.add.f32 [tilespmem:s20], [sflag:$0x5], $0x80, s22, s28, $0xb8;
	[tilespmem:$0x18980] =	vst v63  }
0x72: {  	_ =	swait.ge [sflag:s21], $0x2800  }
0x73: {  	[sflag:s21] =	ssyncset.done $0x0  }
0x74: {  	s8 =	sshrl.u32 s18, $0x3;
	[sflag:s21] =	ssyncadd.s32 $0xFFFFD800  }
0x75: {  	[tilespmem:s20], [sflag:$0x1] =	stream.linear.gather [hbm4b:s2+s4], $0x2800, $0x38;
	[tilespmem:$0x18980] =	vst v63  }
0x76: {  	s8 =	sadd.s32 s1, s8  }
0x77: {  	[tilespmem:s22], [sflag:$0x3] =	stream.linear.gather [hbm4b:s8+s4], $0x50, $0x38;
	[tilespmem:$0x18980] =	vst v63  }
0x78: {  	_ =	swait.ge [sflag:s29], $0x2800  }
0x79: {  	[sflag:s29] =	ssyncset.done $0x0  }
0x7a: {  	[sflag:s29] =	ssyncadd.s32 $0xFFFFD800  }
0x7b: {  	_ =	swait.ge [sflag:s30], $0x50  }
.Ltmp1:
0x7c: {  	[sflag:s30] =	ssyncset.done $0x0;
	(pc) =	sbr.rel @p0 .LBB2_4-.Ltmp1, $4  }
0x7d: {  	[sflag:s30] =	ssyncadd.s32 $0xFFFFFFB0  }
0x7e: {  	[spmem:s3] =	stream.indirect.scatter.add.f32 [tilespmem:s23], [sflag:$0x5], $0x80, s24, s28, $0xb8;
	[tilespmem:$0x18980] =	vst v63  }
0x7f: {  	_ =	swait.ge [sflag:s21], $0x2800  }
0x80: {  	s2 =	sadd.s32 $0xA00, s2;
	[sflag:s21] =	ssyncset.done $0x0  }
0x81: {  	s7 =	sadd.s32 $0xFFFFFB00, s2;
	[sflag:s21] =	ssyncadd.s32 $0xFFFFD800  }
0x82: {  	[tilespmem:s23], [sflag:$0x2] =	stream.linear.gather [hbm4b:s7+s4], $0x2800, $0x38;
	[tilespmem:$0x18980] =	vst v63  }
0x83: {  	s6 =	sadd.s32 s6, s19  }
0x84: {  	[tilespmem:s24], [sflag:$0x4] =	stream.linear.gather [hbm4b:s6+s4], $0x50, $0x38;
	[tilespmem:$0x18980] =	vst v63  }
0x85: {  	_ =	swait.ge [sflag:s25], $0x2800  }
0x86: {  	[sflag:s25] =	ssyncset.done $0x0  }
0x87: {  	[sflag:s25] =	ssyncadd.s32 $0xFFFFD800  }
0x88: {  	_ =	swait.ge [sflag:s26], $0x50  }
0x89: {  	[sflag:s26] =	ssyncset.done $0x0  }
0x8a: {  	[sflag:s26] =	ssyncadd.s32 $0xFFFFFFB0  }
0x8b: {  	[spmem:s3] =	stream.indirect.scatter.add.f32 [tilespmem:s20], [sflag:$0x5], $0x80, s22, s28, $0xb8;
	[tilespmem:$0x18980] =	vst v63  }
0x8c: {  	_ =	swait.ge [sflag:s21], $0x2800  }
0x8d: {  	s7 =	sadd.s32 $0xA0, s18;
	[sflag:s21] =	ssyncset.done $0x0  }
0x8e: {  	s6 =	sshrl.u32 s7, $0x3;
	[sflag:s21] =	ssyncadd.s32 $0xFFFFD800  }
0x8f: {  	[tilespmem:s20], [sflag:$0x1] =	stream.linear.gather [hbm4b:s2+s4], $0x2800, $0x38;
	[tilespmem:$0x18980] =	vst v63  }
0x90: {  	s8 =	sadd.s32 s1, s6  }
0x91: {  	[tilespmem:s22], [sflag:$0x3] =	stream.linear.gather [hbm4b:s8+s4], $0x50, $0x38;
	[tilespmem:$0x18980] =	vst v63  }
0x92: {  	_ =	swait.ge [sflag:s29], $0x2800  }
0x93: {  	[sflag:s29] =	ssyncset.done $0x0  }
0x94: {  	[sflag:s29] =	ssyncadd.s32 $0xFFFFD800  }
0x95: {  	_ =	swait.ge [sflag:s30], $0x50  }
0x96: {  	[sflag:s30] =	ssyncset.done $0x0  }
0x97: {  	[sflag:s30] =	ssyncadd.s32 $0xFFFFFFB0  }
0x98: {  	[spmem:s3] =	stream.indirect.scatter.add.f32 [tilespmem:s23], [sflag:$0x5], $0x80, s24, s28, $0xb8;
	[tilespmem:$0x18980] =	vst v63  }
0x99: {  	_ =	swait.ge [sflag:s21], $0x2800  }
0x9a: {  	[sflag:s21] =	ssyncset.done $0x0  }
0x9b: {  	[sflag:s21] =	ssyncadd.s32 $0xFFFFD800  }
0x9c: {  	_ =	swait.ge [sflag:s25], $0x2800  }
0x9d: {  	[sflag:s25] =	ssyncset.done $0x0  }
0x9e: {  	[sflag:s25] =	ssyncadd.s32 $0xFFFFD800  }
0x9f: {  	_ =	swait.ge [sflag:s26], $0x50  }
0xa0: {  	[sflag:s26] =	ssyncset.done $0x0  }
0xa1: {  	[sflag:s26] =	ssyncadd.s32 $0xFFFFFFB0  }
0xa2: {  	[spmem:s3] =	stream.indirect.scatter.add.f32 [tilespmem:s20], [sflag:$0x5], $0x80, s22, s28, $0xb8;
	[tilespmem:$0x18980] =	vst v63  }
0xa3: {  	s9 =	stileid.u32;
	_ =	swait.ge [sflag:s21], $0x2800  }
0xa4: {  	s31 =	sadd.s32 $0x1, s31;
	s18 =	sshrl.u32 s5, $0x3;
	[sflag:s21] =	ssyncset.done $0x0  }
0xa5: {  	p0 =	sne.s32 s31, s16;
	s2 =	sshll.u32 s9, $0x6;
	[sflag:s21] =	ssyncadd.s32 $0xFFFFD800  }
.Ltmp2:
0xa6: {  	s2 =	sor.u32 $0x1C05, s2;
	[bflag:$0x0] =	sbarrier.arrive $0xFFFF;
	(pc) =	sbr.rel @p0 .LBB2_1-.Ltmp2, $4  }
0xa7: {  	[hbm:s15], [sflag:s2] =	dma.local [spmem:s18], $0x2800  }
0xa8: {  	_ =	swait.ge [sflag:s21], $0x2800  }
0xa9: {  	[sflag:s21] =	ssyncset.done $0x0  }
0xaa: {  	[sflag:s21] =	ssyncadd.s32 $0xFFFFD800  }
0xab: {  	_ =	sfence.sel $0x180000  }
0xac: {  	[bflag:$0x0] =	sbarrier.arrive $0xFFFF  }
0xad: {  	_ =	strace $0x90000047  }
0xae: {  	s0 =	stileid.u32;
	[bflag:$0x2] =	sbarrier.arrive $0xFFFF  }
0xaf: {  	p0 =	sne.s32 s0, $0x0;
	s0 =	rddreg [dreg:$0x4]  }
0xb0: {  	s0 =	sadd.s32 @!p0 $0x100000, s0  }
0xb1: {  	[sflag:s0] =	ssyncadd.tile.s32 @!p0 $0x1;
	_ =	shalt  }
.Lfunc_end2:
_tile_overlayer_lowered:
.L_overlay_start_2:
0xb2: {  	(tag) =	ssettag $0x2  }
0xb3: {  	s0 =	rddreg [dreg:$0x0];
	s2 =	stileid.u32  }
0xb4: {  	s1 =	rddreg [dreg:$0x1];
	p0 =	sne.s32 s2, $0x0  }
0xb5: {  	s3 =	rddreg [dreg:$0x2];
	[bflag:$0x3] =	sbarrier.arrive $0xFFFF;
	s2 =	simm.s32 @!p0 $0x1C05  }
0xb6: {  	[timem:s3], [sflag:s2] =	dma.local @!p0 [hbm:s0], s1  }
0xb7: {  	s0 =	simm.s32 @!p0 $0x5  }
0xb8: {  	_ =	swait.ge @!p0 [sflag:s0], s1  }
0xb9: {  	s1 =	ssub.s32 @!p0 $0x0, s1;
	[sflag:s0] =	ssyncset.done @!p0 $0x0  }
0xba: {  	[sflag:s0] =	ssyncadd.s32 @!p0 s1  }
0xbb: {  	[bflag:$0x3] =	sbarrier.arrive $0xFFFF  }
0xbc: {  	_ =	shalt  }

</sc_bundles>
